<compile_context>
chip_gen: v7x
topology: tpu7x:2x2x1
jax: 0.10.2.dev20260603
libtpu: 0.0.44.dev20260713+nightly
codegen_flags: <defaults>
</compile_context>

<pallas_src>
import functools

import jax
import jax.numpy as jnp
from jax import lax
from jax.experimental import pallas as pl
from jax.experimental.pallas import tpu as pltpu
from jax.experimental.pallas import tpu_sc as plsc

NUM_FEATURES = 128
NUM_SAMPLES = 100000
NUM_CLASSES = 1000
TEMP = 0.05
BATCH = 1024

NC = 2
NS = 16
NW = NC * NS
CHM = 128
KM = 24
MAIN = NW * KM * CHM
TAILF = 13
REM = 32
REM_OFF = MAIN + TAILF * CHM
ACC = 1024
ROWS = ACC // NS
TGT = BATCH // NW
NBUF = 4


def _sc_body(feat_hbm, labflat_hbm, idx_hbm, zs_hbm, zc_hbm, ones_hbm,
             sums_hbm, counts_hbm, targets_hbm,
             lab_v, labt_v, labr_v, feat_a, feat_b, feat_c, feat_d,
             featt_v, ones_v, idx_v, tgt_v, s_acc, c_acc,
             sem, lsem, tsem, sema, semb, semc, semd,
             ssema, ssemb, ssemc, ssemd, csem, tssem, isem, zsem):
    cid = lax.axis_index("c")
    sid = lax.axis_index("s")
    wid = cid * NS + sid

    bufs = (feat_a, feat_b, feat_c, feat_d)
    dsems = (sema, semb, semc, semd)
    ssems = (ssema, ssemb, ssemc, ssemd)

    def feat_src(k):
        base = pl.multiple_of((wid * KM + k) * CHM, 8)
        return feat_hbm.at[pl.ds(base, CHM)]

    def lab_src(k):
        base = pl.multiple_of((wid * KM + k) * CHM, 8)
        return labflat_hbm.at[pl.ds(base, CHM)]

    r0 = sid * ROWS
    tbase = pl.multiple_of(wid * TGT, 8)
    pltpu.async_copy(idx_hbm.at[pl.ds(tbase, TGT)], idx_v, isem)
    pltpu.async_copy(zs_hbm.at[pl.ds(r0, ROWS)], s_acc.at[pl.ds(r0, ROWS)],
                     zsem)
    pltpu.async_copy(zc_hbm.at[pl.ds(r0, ROWS)], c_acc.at[pl.ds(r0, ROWS)],
                     zsem)
    pltpu.async_copy(ones_hbm, ones_v, zsem)

    def lab_fire(k, carry):
        pltpu.async_copy(lab_src(k), lab_v.at[k], lsem)
        return carry

    lax.fori_loop(0, KM, lab_fire, 0)
    for r in range(NBUF):
        pltpu.async_copy(feat_src(r), bufs[r], dsems[r])

    tmain = pl.multiple_of(MAIN + wid * CHM, 8)

    @pl.when(wid < TAILF)
    def _():
        pltpu.async_copy(labflat_hbm.at[pl.ds(tmain, CHM)], labt_v.at[0],
                         lsem)
        pltpu.async_copy(feat_hbm.at[pl.ds(tmain, CHM)], featt_v, tsem)

    @pl.when(wid == TAILF)
    def _():
        pltpu.async_copy(labflat_hbm.at[pl.ds(REM_OFF, REM)], labr_v.at[0],
                         lsem)
        pltpu.async_copy(feat_hbm.at[pl.ds(REM_OFF, REM)],
                         featt_v.at[pl.ds(0, REM)], tsem)

    pltpu.make_async_copy(idx_hbm.at[pl.ds(tbase, TGT)], idx_v, isem).wait()
    pltpu.async_copy(labflat_hbm.at[idx_v], tgt_v, sem).wait()
    pltpu.async_copy(tgt_v, targets_hbm.at[pl.ds(tbase, TGT)], sem)

    pltpu.make_async_copy(zs_hbm.at[pl.ds(r0, ROWS)],
                          s_acc.at[pl.ds(r0, ROWS)], zsem).wait()
    pltpu.make_async_copy(zc_hbm.at[pl.ds(r0, ROWS)],
                          c_acc.at[pl.ds(r0, ROWS)], zsem).wait()
    pltpu.make_async_copy(ones_hbm, ones_v, zsem).wait()

    def lab_drain(k, carry):
        pltpu.make_async_copy(lab_src(k), lab_v.at[k], lsem).wait()
        return carry

    lax.fori_loop(0, KM, lab_drain, 0)

    @pl.when(wid < TAILF)
    def _():
        pltpu.make_async_copy(labflat_hbm.at[pl.ds(tmain, CHM)],
                              labt_v.at[0], lsem).wait()

    @pl.when(wid == TAILF)
    def _():
        pltpu.make_async_copy(labflat_hbm.at[pl.ds(REM_OFF, REM)],
                              labr_v.at[0], lsem).wait()

    plsc.subcore_barrier()

    @pl.when(wid < TAILF)
    def _():
        pltpu.make_async_copy(feat_hbm.at[pl.ds(tmain, CHM)], featt_v,
                              tsem).wait()
        pltpu.async_copy(featt_v, s_acc.at[labt_v.at[0]], tssem, add=True)
        pltpu.async_copy(ones_v, c_acc.at[labt_v.at[0]], csem, add=True)

    @pl.when(wid == TAILF)
    def _():
        pltpu.make_async_copy(feat_hbm.at[pl.ds(REM_OFF, REM)],
                              featt_v.at[pl.ds(0, REM)], tsem).wait()
        pltpu.async_copy(featt_v.at[pl.ds(0, REM)],
                         s_acc.at[labr_v.at[0]], tssem, add=True)
        pltpu.async_copy(ones_v.at[pl.ds(0, REM)],
                         c_acc.at[labr_v.at[0]], csem, add=True)

    def feat_scatter_start(k, r):
        pltpu.async_copy(bufs[r], s_acc.at[lab_v.at[k]], ssems[r], add=True)

    def feat_scatter_wait(k, r):
        pltpu.make_async_copy(bufs[r], s_acc.at[lab_v.at[k]],
                              ssems[r]).wait()

    def cnt_scatter_start(k):
        pltpu.async_copy(ones_v, c_acc.at[lab_v.at[k]], csem, add=True)

    def cnt_scatter_wait(k, carry):
        pltpu.make_async_copy(ones_v, c_acc.at[lab_v.at[k]], csem).wait()
        return carry

    def body(i, carry):
        k0 = i * NBUF
        for r in range(NBUF):
            pltpu.make_async_copy(feat_src(k0 + r), bufs[r],
                                  dsems[r]).wait()
            feat_scatter_start(k0 + r, r)
            cnt_scatter_start(k0 + r)
        for r in range(NBUF):
            @pl.when(k0 + NBUF + r < KM)
            def _():
                feat_scatter_wait(k0 + r, r)
                pltpu.async_copy(feat_src(k0 + NBUF + r), bufs[r],
                                 dsems[r])
        return carry

    lax.fori_loop(0, KM // NBUF, body, 0)

    for r in range(NBUF):
        feat_scatter_wait(KM - NBUF + r, r)

    @pl.when(wid < TAILF)
    def _():
        pltpu.make_async_copy(featt_v, s_acc.at[labt_v.at[0]],
                              tssem).wait()
        pltpu.make_async_copy(ones_v, c_acc.at[labt_v.at[0]], csem).wait()

    @pl.when(wid == TAILF)
    def _():
        pltpu.make_async_copy(featt_v.at[pl.ds(0, REM)],
                              s_acc.at[labr_v.at[0]], tssem).wait()
        pltpu.make_async_copy(ones_v.at[pl.ds(0, REM)],
                              c_acc.at[labr_v.at[0]], csem).wait()

    lax.fori_loop(0, KM, cnt_scatter_wait, 0)

    plsc.subcore_barrier()

    pltpu.async_copy(s_acc.at[pl.ds(r0, ROWS)],
                     sums_hbm.at[cid, pl.ds(r0, ROWS)], zsem)
    pltpu.async_copy(c_acc.at[pl.ds(r0, ROWS)],
                     counts_hbm.at[cid, pl.ds(r0, ROWS)], zsem)
    pltpu.make_async_copy(s_acc.at[pl.ds(r0, ROWS)],
                          sums_hbm.at[cid, pl.ds(r0, ROWS)], zsem).wait()
    pltpu.make_async_copy(c_acc.at[pl.ds(r0, ROWS)],
                          counts_hbm.at[cid, pl.ds(r0, ROWS)], zsem).wait()
    pltpu.make_async_copy(tgt_v, targets_hbm.at[pl.ds(tbase, TGT)],
                          sem).wait()


@functools.cache
def _sc_segsum():
    mesh = plsc.VectorSubcoreMesh(
        core_axis_name="c", subcore_axis_name="s",
        num_cores=NC, num_subcores=NS)
    return pl.kernel(
        _sc_body,
        out_type=[
            jax.ShapeDtypeStruct((NC, ACC, NUM_FEATURES), jnp.float32),
            jax.ShapeDtypeStruct((NC, ACC, 16), jnp.float32),
            jax.ShapeDtypeStruct((BATCH,), jnp.int32),
        ],
        mesh=mesh,
        scratch_types=[
            pltpu.VMEM((KM, CHM), jnp.int32),
            pltpu.VMEM((1, CHM), jnp.int32),
            pltpu.VMEM((1, REM), jnp.int32),
            pltpu.VMEM((CHM, NUM_FEATURES), jnp.float32),
            pltpu.VMEM((CHM, NUM_FEATURES), jnp.float32),
            pltpu.VMEM((CHM, NUM_FEATURES), jnp.float32),
            pltpu.VMEM((CHM, NUM_FEATURES), jnp.float32),
            pltpu.VMEM((CHM, NUM_FEATURES), jnp.float32),
            pltpu.VMEM((CHM, 16), jnp.float32),
            pltpu.VMEM((TGT,), jnp.int32),
            pltpu.VMEM((TGT,), jnp.int32),
            pltpu.VMEM_SHARED((ACC, NUM_FEATURES), jnp.float32),
            pltpu.VMEM_SHARED((ACC, 16), jnp.float32),
        ] + [pltpu.SemaphoreType.DMA] * 15,
    )


def _tc_body(x_ref, s_ref, c_ref, t_ref, o_ref):
    s = s_ref[0] + s_ref[1]
    c2 = c_ref[0] + c_ref[1]
    sim = lax.dot_general(x_ref[...], s, (((1,), (1,)), ((), ())),
                          preferred_element_type=jnp.float32)
    w16 = jnp.full((1, 16), 1.0 / 16.0, jnp.float32)
    cnt = lax.dot_general(w16, c2, (((1,), (1,)), ((), ())),
                          preferred_element_type=jnp.float32)
    col = lax.broadcasted_iota(jnp.int32, (1, ACC), 1)
    mask = jnp.logical_and(cnt > 0.0, col < NUM_CLASSES)
    maskf = mask.astype(jnp.float32)
    simn = sim * (1.0 / TEMP) / jnp.where(cnt > 0.0, cnt, 1.0)
    e = jnp.exp(simn) * maskf
    denom = jnp.sum(e, axis=1, keepdims=True) + 1e-6
    colb = lax.broadcasted_iota(jnp.int32, (BATCH, ACC), 1)
    t = jnp.reshape(t_ref[...], (BATCH, 1))
    onehot = (colb == t).astype(jnp.float32)
    e_t = jnp.sum(e * onehot, axis=1, keepdims=True)
    p_t = e_t / denom
    log_pt = jnp.log(p_t + 1e-6)
    lb = -(1.0 + (1.0 - p_t) ** 4) * log_pt
    o_ref[0] = jnp.sum(lb) * (1.0 / BATCH)


_tc_loss = pl.pallas_call(
    _tc_body,
    out_shape=jax.ShapeDtypeStruct((1,), jnp.float32),
    out_specs=pl.BlockSpec(memory_space=pltpu.SMEM),
)


def kernel(inputs, another_inputs_full, indexes, features, labels):
    del another_inputs_full
    labels = labels.astype(jnp.int32)
    indexes = indexes.astype(jnp.int32)
    zs = jnp.zeros((ACC, NUM_FEATURES), jnp.float32)
    zc = jnp.zeros((ACC, 16), jnp.float32)
    ones = jnp.ones((CHM, 16), jnp.float32)
    sums, counts, targets = _sc_segsum()(
        features, labels, indexes, zs, zc, ones)
    loss = _tc_loss(inputs, sums, counts, targets)
    return loss[0]

# --- scband reference (transcript-rebuilt; emitter-appended) ---
"""Pipeline reference for scband-hybrid-memory-21921513079409 (READ-ONLY COPY).

The authoritative reference and input builder live on the scoring server;
editing this copy changes nothing except your own understanding.
"""

import jax, jax.numpy as jnp
import numpy as np

NUM_FEATURES = 128
NUM_SAMPLES = 100000
NUM_CLASSES = 1000
TEMP = 0.05
BATCH = 1024

def setup_inputs(seed: int = 0) -> dict:
    key = jax.random.key(seed)
    k1, k2, k3, k4, k5 = jax.random.split(key, 5)
    inputs = jax.random.normal(k1, (BATCH, NUM_FEATURES), dtype=jnp.float32)
    another_inputs_full = jax.random.normal(k2, (BATCH, NUM_FEATURES), dtype=jnp.float32)
    indexes = jax.random.randint(k3, (BATCH,), 0, NUM_SAMPLES)
    features = jax.random.normal(k4, (NUM_SAMPLES, NUM_FEATURES), dtype=jnp.float32)
    features = features / (jnp.linalg.norm(features, axis=1, keepdims=True) + 1e-12)
    labels = jax.random.randint(k5, (NUM_SAMPLES,), 0, NUM_CLASSES)
    return {"inputs": inputs, "another_inputs_full": another_inputs_full, "indexes": indexes, "features": features, "labels": labels}

def _masked_softmax(vec, mask, epsilon=1e-06):
    exps = jnp.exp(vec)
    masked_exps = exps * mask.astype(jnp.float32)
    masked_sums = masked_exps.sum(axis=1, keepdims=True) + epsilon
    return masked_exps / masked_sums

def reference(inputs, another_inputs_full, indexes, features, labels):
    # HM.forward: similarity against memory bank (features is a buffer / stop-grad)
    logits = inputs @ features.T            # [B, num_samples]
    logits = logits / TEMP
    targets = labels[indexes]               # [B]
    # sim.index_add_(0, labels, logits.t()) -> segment sum over memory slots by cluster label
    sim = jax.ops.segment_sum(logits.T, labels, num_segments=NUM_CLASSES)   # [C, B]
    nums = jax.ops.segment_sum(jnp.ones((NUM_SAMPLES, 1), jnp.float32), labels, num_segments=NUM_CLASSES)  # [C, 1]
    mask = (nums > 0).astype(jnp.float32)   # [C, 1]
    sim = sim / (mask * nums + (1.0 - mask))
    mask_e = jnp.broadcast_to(mask, sim.shape)  # [C, B]
    masked_sim = _masked_softmax(sim.T, mask_e.T)  # [B, C]
    log_ms = jnp.log(masked_sim + 1e-06)
    # F.nll_loss(log_ms, targets)
    nll = -jnp.mean(jnp.take_along_axis(log_ms, targets[:, None], axis=1)[:, 0])
    # focal_loss (recomputes masked softmax on same sim/mask)
    onehot = jax.nn.one_hot(targets, NUM_CLASSES, dtype=jnp.float32)
    focal_p = onehot * masked_sim
    focal_p_all = (onehot - focal_p) ** 4
    floss = jnp.mean(jnp.sum(-(focal_p_all * log_ms), axis=1))
    return nll + floss

if __name__ == "__main__":
    import jax
    _d = setup_inputs()
    print(jax.jit(kernel)(*tuple(_d.values())))

</pallas_src>

<mosaic_0001>
#map = affine_map<(d0, d1) -> (0, 0)>
#map1 = affine_map<(d0, d1) -> (0)>
#map2 = affine_map<(d0, d1) -> (0, 0, 0)>
module attributes {stable_mosaic.version = 14 : i64} {
  func.func @_sc_body(%arg0: i32, %arg1: i32, %arg2: memref<100000x128xf32, #tpu.memory_space<hbm>>, %arg3: memref<100000xi32, #tpu.memory_space<hbm>>, %arg4: memref<1024xi32, #tpu.memory_space<hbm>>, %arg5: memref<1024x128xf32, #tpu.memory_space<hbm>>, %arg6: memref<1024x16xf32, #tpu.memory_space<hbm>>, %arg7: memref<128x16xf32, #tpu.memory_space<hbm>>, %arg8: memref<2x1024x128xf32, #tpu.memory_space<hbm>>, %arg9: memref<2x1024x16xf32, #tpu.memory_space<hbm>>, %arg10: memref<1024xi32, #tpu.memory_space<hbm>>, %arg11: memref<24x128xi32, #tpu.memory_space<vmem>>, %arg12: memref<1x128xi32, #tpu.memory_space<vmem>>, %arg13: memref<1x32xi32, #tpu.memory_space<vmem>>, %arg14: memref<128x128xf32, #tpu.memory_space<vmem>>, %arg15: memref<128x128xf32, #tpu.memory_space<vmem>>, %arg16: memref<128x128xf32, #tpu.memory_space<vmem>>, %arg17: memref<128x128xf32, #tpu.memory_space<vmem>>, %arg18: memref<128x128xf32, #tpu.memory_space<vmem>>, %arg19: memref<128x16xf32, #tpu.memory_space<vmem>>, %arg20: memref<32xi32, #tpu.memory_space<vmem>>, %arg21: memref<32xi32, #tpu.memory_space<vmem>>, %arg22: memref<1024x128xf32, #tpu.memory_space<vmem_shared>>, %arg23: memref<1024x16xf32, #tpu.memory_space<vmem_shared>>, %arg24: memref<!tpu.dma_semaphore, #tpu.memory_space<semaphore_mem>>, %arg25: memref<!tpu.dma_semaphore, #tpu.memory_space<semaphore_mem>>, %arg26: memref<!tpu.dma_semaphore, #tpu.memory_space<semaphore_mem>>, %arg27: memref<!tpu.dma_semaphore, #tpu.memory_space<semaphore_mem>>, %arg28: memref<!tpu.dma_semaphore, #tpu.memory_space<semaphore_mem>>, %arg29: memref<!tpu.dma_semaphore, #tpu.memory_space<semaphore_mem>>, %arg30: memref<!tpu.dma_semaphore, #tpu.memory_space<semaphore_mem>>, %arg31: memref<!tpu.dma_semaphore, #tpu.memory_space<semaphore_mem>>, %arg32: memref<!tpu.dma_semaphore, #tpu.memory_space<semaphore_mem>>, %arg33: memref<!tpu.dma_semaphore, #tpu.memory_space<semaphore_mem>>, %arg34: memref<!tpu.dma_semaphore, #tpu.memory_space<semaphore_mem>>, %arg35: memref<!tpu.dma_semaphore, #tpu.memory_space<semaphore_mem>>, %arg36: memref<!tpu.dma_semaphore, #tpu.memory_space<semaphore_mem>>, %arg37: memref<!tpu.dma_semaphore, #tpu.memory_space<semaphore_mem>>, %arg38: memref<!tpu.dma_semaphore, #tpu.memory_space<semaphore_mem>>) attributes {dimension_semantics = [#tpu.dimension_semantics<core_parallel>, #tpu.dimension_semantics<subcore_parallel>], iteration_bounds = array<i64: 2, 16>, scalar_prefetch = 0 : i64, scratch_operands = 28 : i64, tpu.core_type = #tpu.core_type<sc_vector_subcore>, window_params = [{transform_indices = #map}, {transform_indices = #map1}, {transform_indices = #map1}, {transform_indices = #map}, {transform_indices = #map}, {transform_indices = #map}, {transform_indices = #map2}, {transform_indices = #map2}, {transform_indices = #map1}]} {
    %mul3A = arith.constant 16 : i32
    %mul3A_0 = arith.muli %arg0, %mul3A : i32
    %add3A = arith.addi %mul3A_0, %arg1 : i32
    %mul3A_1 = arith.constant 64 : i32
    %mul3A_2 = arith.muli %arg1, %mul3A_1 : i32
    %mul3A_3 = arith.constant 32 : i32
    %mul3A_4 = arith.muli %add3A, %mul3A_3 : i32
    %multiple_of3A = tpu.assume_multiple %mul3A_4, 8 : i32
    %dma_start3A = tpu.memref_slice %arg4[%multiple_of3A] : memref<1024xi32, #tpu.memory_space<hbm>> -> memref<32xi32, #tpu.memory_space<hbm>>
    %dma_start3A_5 = tpu.memref_slice %arg4[%multiple_of3A] : memref<1024xi32, #tpu.memory_space<hbm>> -> memref<32xi32, #tpu.memory_space<hbm>>
    tpu.enqueue_dma source(%dma_start3A_5 : memref<32xi32, #tpu.memory_space<hbm>>) target(%arg20 : memref<32xi32, #tpu.memory_space<vmem>>) target_semaphore(%arg37 : memref<!tpu.dma_semaphore, #tpu.memory_space<semaphore_mem>>)
    %dma_start3A_6 = arith.constant 0 : i32
    %dma_start3A_7 = tpu.memref_slice %arg22[%mul3A_2, %dma_start3A_6] : memref<1024x128xf32, #tpu.memory_space<vmem_shared>> -> memref<64x128xf32, #tpu.memory_space<vmem_shared>>
    %dma_start3A_8 = arith.constant 0 : i32
    %dma_start3A_9 = tpu.memref_slice %arg5[%mul3A_2, %dma_start3A_8] : memref<1024x128xf32, #tpu.memory_space<hbm>> -> memref<64x128xf32, #tpu.memory_space<hbm>>
    tpu.enqueue_dma source(%dma_start3A_9 : memref<64x128xf32, #tpu.memory_space<hbm>>) target(%dma_start3A_7 : memref<64x128xf32, #tpu.memory_space<vmem_shared>>) target_semaphore(%arg38 : memref<!tpu.dma_semaphore, #tpu.memory_space<semaphore_mem>>)
    %dma_start3A_10 = arith.constant 0 : i32
    %dma_start3A_11 = tpu.memref_slice %arg23[%mul3A_2, %dma_start3A_10] : memref<1024x16xf32, #tpu.memory_space<vmem_shared>> -> memref<64x16xf32, #tpu.memory_space<vmem_shared>>
    %dma_start3A_12 = arith.constant 0 : i32
    %dma_start3A_13 = tpu.memref_slice %arg6[%mul3A_2, %dma_start3A_12] : memref<1024x16xf32, #tpu.memory_space<hbm>> -> memref<64x16xf32, #tpu.memory_space<hbm>>
    tpu.enqueue_dma source(%dma_start3A_13 : memref<64x16xf32, #tpu.memory_space<hbm>>) target(%dma_start3A_11 : memref<64x16xf32, #tpu.memory_space<vmem_shared>>) target_semaphore(%arg38 : memref<!tpu.dma_semaphore, #tpu.memory_space<semaphore_mem>>)
    tpu.enqueue_dma source(%arg7 : memref<128x16xf32, #tpu.memory_space<hbm>>) target(%arg19 : memref<128x16xf32, #tpu.memory_space<vmem>>) target_semaphore(%arg38 : memref<!tpu.dma_semaphore, #tpu.memory_space<semaphore_mem>>)
    %scan3A = arith.constant 0 : i32
    %scan3A_14 = arith.constant 0 : i32
    %scan3A_15 = arith.constant 24 : i32
    %scan3A_16 = arith.addi %scan3A_14, %scan3A_15 : i32
    %scan3A_17 = arith.constant 1 : i32
    scf.for %scan3A_188 = %scan3A_14 to %scan3A_16 step %scan3A_17  : i32 {
      %mul3A_189 = arith.constant 24 : i32
      %mul3A_190 = arith.muli %add3A, %mul3A_189 : i32
      %add3A_191 = arith.addi %mul3A_190, %scan3A_188 : i32
      %mul3A_192 = arith.constant 128 : i32
      %mul3A_193 = arith.muli %add3A_191, %mul3A_192 : i32
      %multiple_of3A_194 = tpu.assume_multiple %mul3A_193, 8 : i32
      %dma_start3A_195 = arith.constant 0 : i32
      %dma_start3A_196 = tpu.memref_slice %arg11[%scan3A_188, %dma_start3A_195] : memref<24x128xi32, #tpu.memory_space<vmem>> -> memref<1x128xi32, #tpu.memory_space<vmem>>
      %dma_start3A_197 = tpu.memref_squeeze %dma_start3A_196 : memref<1x128xi32, #tpu.memory_space<vmem>> -> memref<128xi32, #tpu.memory_space<vmem>>
      %dma_start3A_198 = tpu.memref_slice %arg3[%multiple_of3A_194] : memref<100000xi32, #tpu.memory_space<hbm>> -> memref<128xi32, #tpu.memory_space<hbm>>
      %dma_start3A_199 = arith.constant 0 : i32
      %dma_start3A_200 = tpu.memref_slice %arg11[%scan3A_188, %dma_start3A_199] : memref<24x128xi32, #tpu.memory_space<vmem>> -> memref<1x128xi32, #tpu.memory_space<vmem>>
      %dma_start3A_201 = tpu.memref_squeeze %dma_start3A_200 : memref<1x128xi32, #tpu.memory_space<vmem>> -> memref<128xi32, #tpu.memory_space<vmem>>
      %dma_start3A_202 = tpu.memref_slice %arg3[%multiple_of3A_194] : memref<100000xi32, #tpu.memory_space<hbm>> -> memref<128xi32, #tpu.memory_space<hbm>>
      tpu.enqueue_dma source(%dma_start3A_202 : memref<128xi32, #tpu.memory_space<hbm>>) target(%dma_start3A_201 : memref<128xi32, #tpu.memory_space<vmem>>) target_semaphore(%arg25 : memref<!tpu.dma_semaphore, #tpu.memory_space<semaphore_mem>>)
    }
    %scan3A_18 = arith.constant 24 : i32
    %mul3A_19 = arith.constant 24 : i32
    %mul3A_20 = arith.muli %add3A, %mul3A_19 : i32
    %add3A_21 = arith.constant 0 : i32
    %add3A_22 = arith.addi %mul3A_20, %add3A_21 : i32
    %mul3A_23 = arith.constant 128 : i32
    %mul3A_24 = arith.muli %add3A_22, %mul3A_23 : i32
    %multiple_of3A_25 = tpu.assume_multiple %mul3A_24, 8 : i32
    %dma_start3A_26 = arith.constant 0 : i32
    %dma_start3A_27 = tpu.memref_slice %arg2[%multiple_of3A_25, %dma_start3A_26] : memref<100000x128xf32, #tpu.memory_space<hbm>> -> memref<128x128xf32, #tpu.memory_space<hbm>>
    %dma_start3A_28 = arith.constant 0 : i32
    %dma_start3A_29 = tpu.memref_slice %arg2[%multiple_of3A_25, %dma_start3A_28] : memref<100000x128xf32, #tpu.memory_space<hbm>> -> memref<128x128xf32, #tpu.memory_space<hbm>>
    tpu.enqueue_dma source(%dma_start3A_29 : memref<128x128xf32, #tpu.memory_space<hbm>>) target(%arg14 : memref<128x128xf32, #tpu.memory_space<vmem>>) target_semaphore(%arg27 : memref<!tpu.dma_semaphore, #tpu.memory_space<semaphore_mem>>)
    %mul3A_30 = arith.constant 24 : i32
    %mul3A_31 = arith.muli %add3A, %mul3A_30 : i32
    %add3A_32 = arith.constant 1 : i32
    %add3A_33 = arith.addi %mul3A_31, %add3A_32 : i32
    %mul3A_34 = arith.constant 128 : i32
    %mul3A_35 = arith.muli %add3A_33, %mul3A_34 : i32
    %multiple_of3A_36 = tpu.assume_multiple %mul3A_35, 8 : i32
    %dma_start3A_37 = arith.constant 0 : i32
    %dma_start3A_38 = tpu.memref_slice %arg2[%multiple_of3A_36, %dma_start3A_37] : memref<100000x128xf32, #tpu.memory_space<hbm>> -> memref<128x128xf32, #tpu.memory_space<hbm>>
    %dma_start3A_39 = arith.constant 0 : i32
    %dma_start3A_40 = tpu.memref_slice %arg2[%multiple_of3A_36, %dma_start3A_39] : memref<100000x128xf32, #tpu.memory_space<hbm>> -> memref<128x128xf32, #tpu.memory_space<hbm>>
    tpu.enqueue_dma source(%dma_start3A_40 : memref<128x128xf32, #tpu.memory_space<hbm>>) target(%arg15 : memref<128x128xf32, #tpu.memory_space<vmem>>) target_semaphore(%arg28 : memref<!tpu.dma_semaphore, #tpu.memory_space<semaphore_mem>>)
    %mul3A_41 = arith.constant 24 : i32
    %mul3A_42 = arith.muli %add3A, %mul3A_41 : i32
    %add3A_43 = arith.constant 2 : i32
    %add3A_44 = arith.addi %mul3A_42, %add3A_43 : i32
    %mul3A_45 = arith.constant 128 : i32
    %mul3A_46 = arith.muli %add3A_44, %mul3A_45 : i32
    %multiple_of3A_47 = tpu.assume_multiple %mul3A_46, 8 : i32
    %dma_start3A_48 = arith.constant 0 : i32
    %dma_start3A_49 = tpu.memref_slice %arg2[%multiple_of3A_47, %dma_start3A_48] : memref<100000x128xf32, #tpu.memory_space<hbm>> -> memref<128x128xf32, #tpu.memory_space<hbm>>
    %dma_start3A_50 = arith.constant 0 : i32
    %dma_start3A_51 = tpu.memref_slice %arg2[%multiple_of3A_47, %dma_start3A_50] : memref<100000x128xf32, #tpu.memory_space<hbm>> -> memref<128x128xf32, #tpu.memory_space<hbm>>
    tpu.enqueue_dma source(%dma_start3A_51 : memref<128x128xf32, #tpu.memory_space<hbm>>) target(%arg16 : memref<128x128xf32, #tpu.memory_space<vmem>>) target_semaphore(%arg29 : memref<!tpu.dma_semaphore, #tpu.memory_space<semaphore_mem>>)
    %mul3A_52 = arith.constant 24 : i32
    %mul3A_53 = arith.muli %add3A, %mul3A_52 : i32
    %add3A_54 = arith.constant 3 : i32
    %add3A_55 = arith.addi %mul3A_53, %add3A_54 : i32
    %mul3A_56 = arith.constant 128 : i32
    %mul3A_57 = arith.muli %add3A_55, %mul3A_56 : i32
    %multiple_of3A_58 = tpu.assume_multiple %mul3A_57, 8 : i32
    %dma_start3A_59 = arith.constant 0 : i32
    %dma_start3A_60 = tpu.memref_slice %arg2[%multiple_of3A_58, %dma_start3A_59] : memref<100000x128xf32, #tpu.memory_space<hbm>> -> memref<128x128xf32, #tpu.memory_space<hbm>>
    %dma_start3A_61 = arith.constant 0 : i32
    %dma_start3A_62 = tpu.memref_slice %arg2[%multiple_of3A_58, %dma_start3A_61] : memref<100000x128xf32, #tpu.memory_space<hbm>> -> memref<128x128xf32, #tpu.memory_space<hbm>>
    tpu.enqueue_dma source(%dma_start3A_62 : memref<128x128xf32, #tpu.memory_space<hbm>>) target(%arg17 : memref<128x128xf32, #tpu.memory_space<vmem>>) target_semaphore(%arg30 : memref<!tpu.dma_semaphore, #tpu.memory_space<semaphore_mem>>)
    %mul3A_63 = arith.constant 128 : i32
    %mul3A_64 = arith.muli %add3A, %mul3A_63 : i32
    %add3A_65 = arith.constant 98304 : i32
    %add3A_66 = arith.addi %add3A_65, %mul3A_64 : i32
    %multiple_of3A_67 = tpu.assume_multiple %add3A_66, 8 : i32
    %lt3A = arith.constant 13 : i32
    %lt3A_68 = arith.cmpi slt, %add3A, %lt3A : i32
    %convert_element_type3A = arith.extui %lt3A_68 : i1 to i32
    %cond3A = arith.constant 0 : i32
    %cond3A_69 = arith.cmpi ne, %convert_element_type3A, %cond3A : i32
    scf.if %cond3A_69 {
      %dma_start3A_188 = arith.constant 0 : i32
      %dma_start3A_189 = arith.constant 0 : i32
      %dma_start3A_190 = tpu.memref_slice %arg12[%dma_start3A_188, %dma_start3A_189] : memref<1x128xi32, #tpu.memory_space<vmem>> -> memref<1x128xi32, #tpu.memory_space<vmem>>
      %dma_start3A_191 = tpu.memref_squeeze %dma_start3A_190 : memref<1x128xi32, #tpu.memory_space<vmem>> -> memref<128xi32, #tpu.memory_space<vmem>>
      %dma_start3A_192 = tpu.memref_slice %arg3[%multiple_of3A_67] : memref<100000xi32, #tpu.memory_space<hbm>> -> memref<128xi32, #tpu.memory_space<hbm>>
      %dma_start3A_193 = arith.constant 0 : i32
      %dma_start3A_194 = tpu.memref_slice %arg12[%dma_start3A_188, %dma_start3A_193] : memref<1x128xi32, #tpu.memory_space<vmem>> -> memref<1x128xi32, #tpu.memory_space<vmem>>
      %dma_start3A_195 = tpu.memref_squeeze %dma_start3A_194 : memref<1x128xi32, #tpu.memory_space<vmem>> -> memref<128xi32, #tpu.memory_space<vmem>>
      %dma_start3A_196 = tpu.memref_slice %arg3[%multiple_of3A_67] : memref<100000xi32, #tpu.memory_space<hbm>> -> memref<128xi32, #tpu.memory_space<hbm>>
      tpu.enqueue_dma source(%dma_start3A_196 : memref<128xi32, #tpu.memory_space<hbm>>) target(%dma_start3A_195 : memref<128xi32, #tpu.memory_space<vmem>>) target_semaphore(%arg25 : memref<!tpu.dma_semaphore, #tpu.memory_space<semaphore_mem>>)
      %dma_start3A_197 = arith.constant 0 : i32
      %dma_start3A_198 = tpu.memref_slice %arg2[%multiple_of3A_67, %dma_start3A_197] : memref<100000x128xf32, #tpu.memory_space<hbm>> -> memref<128x128xf32, #tpu.memory_space<hbm>>
      %dma_start3A_199 = arith.constant 0 : i32
      %dma_start3A_200 = tpu.memref_slice %arg2[%multiple_of3A_67, %dma_start3A_199] : memref<100000x128xf32, #tpu.memory_space<hbm>> -> memref<128x128xf32, #tpu.memory_space<hbm>>
      tpu.enqueue_dma source(%dma_start3A_200 : memref<128x128xf32, #tpu.memory_space<hbm>>) target(%arg18 : memref<128x128xf32, #tpu.memory_space<vmem>>) target_semaphore(%arg26 : memref<!tpu.dma_semaphore, #tpu.memory_space<semaphore_mem>>)
    } else {
    }
    %eq3A = arith.constant 13 : i32
    %eq3A_70 = arith.cmpi eq, %add3A, %eq3A : i32
    %convert_element_type3A_71 = arith.extui %eq3A_70 : i1 to i32
    %cond3A_72 = arith.constant 0 : i32
    %cond3A_73 = arith.cmpi ne, %convert_element_type3A_71, %cond3A_72 : i32
    scf.if %cond3A_73 {
      %dma_start3A_188 = arith.constant 0 : i32
      %dma_start3A_189 = arith.constant 0 : i32
      %dma_start3A_190 = tpu.memref_slice %arg13[%dma_start3A_188, %dma_start3A_189] : memref<1x32xi32, #tpu.memory_space<vmem>> -> memref<1x32xi32, #tpu.memory_space<vmem>>
      %dma_start3A_191 = tpu.memref_squeeze %dma_start3A_190 : memref<1x32xi32, #tpu.memory_space<vmem>> -> memref<32xi32, #tpu.memory_space<vmem>>
      %dma_start3A_192 = arith.constant 99968 : i32
      %dma_start3A_193 = tpu.memref_slice %arg3[%dma_start3A_192] : memref<100000xi32, #tpu.memory_space<hbm>> -> memref<32xi32, #tpu.memory_space<hbm>>
      %dma_start3A_194 = arith.constant 0 : i32
      %dma_start3A_195 = tpu.memref_slice %arg13[%dma_start3A_188, %dma_start3A_194] : memref<1x32xi32, #tpu.memory_space<vmem>> -> memref<1x32xi32, #tpu.memory_space<vmem>>
      %dma_start3A_196 = tpu.memref_squeeze %dma_start3A_195 : memref<1x32xi32, #tpu.memory_space<vmem>> -> memref<32xi32, #tpu.memory_space<vmem>>
      %dma_start3A_197 = arith.constant 99968 : i32
      %dma_start3A_198 = tpu.memref_slice %arg3[%dma_start3A_197] : memref<100000xi32, #tpu.memory_space<hbm>> -> memref<32xi32, #tpu.memory_space<hbm>>
      tpu.enqueue_dma source(%dma_start3A_198 : memref<32xi32, #tpu.memory_space<hbm>>) target(%dma_start3A_196 : memref<32xi32, #tpu.memory_space<vmem>>) target_semaphore(%arg25 : memref<!tpu.dma_semaphore, #tpu.memory_space<semaphore_mem>>)
      %dma_start3A_199 = arith.constant 0 : i32
      %dma_start3A_200 = arith.constant 0 : i32
      %dma_start3A_201 = tpu.memref_slice %arg18[%dma_start3A_199, %dma_start3A_200] : memref<128x128xf32, #tpu.memory_space<vmem>> -> memref<32x128xf32, #tpu.memory_space<vmem>>
      %dma_start3A_202 = arith.constant 99968 : i32
      %dma_start3A_203 = arith.constant 0 : i32
      %dma_start3A_204 = tpu.memref_slice %arg2[%dma_start3A_202, %dma_start3A_203] : memref<100000x128xf32, #tpu.memory_space<hbm>> -> memref<32x128xf32, #tpu.memory_space<hbm>>
      %dma_start3A_205 = arith.constant 0 : i32
      %dma_start3A_206 = arith.constant 0 : i32
      %dma_start3A_207 = tpu.memref_slice %arg18[%dma_start3A_205, %dma_start3A_206] : memref<128x128xf32, #tpu.memory_space<vmem>> -> memref<32x128xf32, #tpu.memory_space<vmem>>
      %dma_start3A_208 = arith.constant 99968 : i32
      %dma_start3A_209 = arith.constant 0 : i32
      %dma_start3A_210 = tpu.memref_slice %arg2[%dma_start3A_208, %dma_start3A_209] : memref<100000x128xf32, #tpu.memory_space<hbm>> -> memref<32x128xf32, #tpu.memory_space<hbm>>
      tpu.enqueue_dma source(%dma_start3A_210 : memref<32x128xf32, #tpu.memory_space<hbm>>) target(%dma_start3A_207 : memref<32x128xf32, #tpu.memory_space<vmem>>) target_semaphore(%arg26 : memref<!tpu.dma_semaphore, #tpu.memory_space<semaphore_mem>>)
    } else {
    }
    %dma_wait3A = tpu.memref_slice %arg4[%multiple_of3A] : memref<1024xi32, #tpu.memory_space<hbm>> -> memref<32xi32, #tpu.memory_space<hbm>>
    %dma_wait3A_74 = tpu.memref_slice %arg4[%multiple_of3A] : memref<1024xi32, #tpu.memory_space<hbm>> -> memref<32xi32, #tpu.memory_space<hbm>>
    tpu.wait_dma2 semaphore(%arg37 : memref<!tpu.dma_semaphore, #tpu.memory_space<semaphore_mem>>) src(%dma_wait3A_74 : memref<32xi32, #tpu.memory_space<hbm>>) dst(%arg20 : memref<32xi32, #tpu.memory_space<vmem>>)
    %dma_start3A_75 = arith.constant 0 : i32
    %dma_start3A_76 = tpu.memref_slice %arg3[%dma_start3A_75] : memref<100000xi32, #tpu.memory_space<hbm>> -> memref<100000xi32, #tpu.memory_space<hbm>>
    tpu.enqueue_indirect_dma source(%dma_start3A_76 : memref<100000xi32, #tpu.memory_space<hbm>>) target(%arg21 : memref<32xi32, #tpu.memory_space<vmem>>) offsets(%arg20 : memref<32xi32, #tpu.memory_space<vmem>>) semaphore(%arg24 : memref<!tpu.dma_semaphore, #tpu.memory_space<semaphore_mem>>)
    %dma_wait3A_77 = arith.constant 0 : i32
    %dma_wait3A_78 = tpu.memref_slice %arg3[%dma_wait3A_77] : memref<100000xi32, #tpu.memory_space<hbm>> -> memref<100000xi32, #tpu.memory_space<hbm>>
    tpu.wait_indirect_dma semaphore(%arg24 : memref<!tpu.dma_semaphore, #tpu.memory_space<semaphore_mem>>) src(%dma_wait3A_78 : memref<100000xi32, #tpu.memory_space<hbm>>) dst(%arg21 : memref<32xi32, #tpu.memory_space<vmem>>)
    %dma_start3A_79 = tpu.memref_slice %arg10[%multiple_of3A] : memref<1024xi32, #tpu.memory_space<hbm>> -> memref<32xi32, #tpu.memory_space<hbm>>
    %dma_start3A_80 = tpu.memref_slice %arg10[%multiple_of3A] : memref<1024xi32, #tpu.memory_space<hbm>> -> memref<32xi32, #tpu.memory_space<hbm>>
    tpu.enqueue_dma source(%arg21 : memref<32xi32, #tpu.memory_space<vmem>>) target(%dma_start3A_80 : memref<32xi32, #tpu.memory_space<hbm>>) target_semaphore(%arg24 : memref<!tpu.dma_semaphore, #tpu.memory_space<semaphore_mem>>)
    %dma_wait3A_81 = arith.constant 0 : i32
    %dma_wait3A_82 = tpu.memref_slice %arg22[%mul3A_2, %dma_wait3A_81] : memref<1024x128xf32, #tpu.memory_space<vmem_shared>> -> memref<64x128xf32, #tpu.memory_space<vmem_shared>>
    %dma_wait3A_83 = arith.constant 0 : i32
    %dma_wait3A_84 = tpu.memref_slice %arg5[%mul3A_2, %dma_wait3A_83] : memref<1024x128xf32, #tpu.memory_space<hbm>> -> memref<64x128xf32, #tpu.memory_space<hbm>>
    tpu.wait_dma2 semaphore(%arg38 : memref<!tpu.dma_semaphore, #tpu.memory_space<semaphore_mem>>) src(%dma_wait3A_84 : memref<64x128xf32, #tpu.memory_space<hbm>>) dst(%dma_wait3A_82 : memref<64x128xf32, #tpu.memory_space<vmem_shared>>)
    %dma_wait3A_85 = arith.constant 0 : i32
    %dma_wait3A_86 = tpu.memref_slice %arg23[%mul3A_2, %dma_wait3A_85] : memref<1024x16xf32, #tpu.memory_space<vmem_shared>> -> memref<64x16xf32, #tpu.memory_space<vmem_shared>>
    %dma_wait3A_87 = arith.constant 0 : i32
    %dma_wait3A_88 = tpu.memref_slice %arg6[%mul3A_2, %dma_wait3A_87] : memref<1024x16xf32, #tpu.memory_space<hbm>> -> memref<64x16xf32, #tpu.memory_space<hbm>>
    tpu.wait_dma2 semaphore(%arg38 : memref<!tpu.dma_semaphore, #tpu.memory_space<semaphore_mem>>) src(%dma_wait3A_88 : memref<64x16xf32, #tpu.memory_space<hbm>>) dst(%dma_wait3A_86 : memref<64x16xf32, #tpu.memory_space<vmem_shared>>)
    tpu.wait_dma2 semaphore(%arg38 : memref<!tpu.dma_semaphore, #tpu.memory_space<semaphore_mem>>) src(%arg7 : memref<128x16xf32, #tpu.memory_space<hbm>>) dst(%arg19 : memref<128x16xf32, #tpu.memory_space<vmem>>)
    %scan3A_89 = arith.constant 0 : i32
    %scan3A_90 = arith.constant 0 : i32
    %scan3A_91 = arith.constant 24 : i32
    %scan3A_92 = arith.addi %scan3A_90, %scan3A_91 : i32
    %scan3A_93 = arith.constant 1 : i32
    scf.for %scan3A_188 = %scan3A_90 to %scan3A_92 step %scan3A_93  : i32 {
      %mul3A_189 = arith.constant 24 : i32
      %mul3A_190 = arith.muli %add3A, %mul3A_189 : i32
      %add3A_191 = arith.addi %mul3A_190, %scan3A_188 : i32
      %mul3A_192 = arith.constant 128 : i32
      %mul3A_193 = arith.muli %add3A_191, %mul3A_192 : i32
      %multiple_of3A_194 = tpu.assume_multiple %mul3A_193, 8 : i32
      %dma_wait3A_195 = arith.constant 0 : i32
      %dma_wait3A_196 = tpu.memref_slice %arg11[%scan3A_188, %dma_wait3A_195] : memref<24x128xi32, #tpu.memory_space<vmem>> -> memref<1x128xi32, #tpu.memory_space<vmem>>
      %dma_wait3A_197 = tpu.memref_squeeze %dma_wait3A_196 : memref<1x128xi32, #tpu.memory_space<vmem>> -> memref<128xi32, #tpu.memory_space<vmem>>
      %dma_wait3A_198 = tpu.memref_slice %arg3[%multiple_of3A_194] : memref<100000xi32, #tpu.memory_space<hbm>> -> memref<128xi32, #tpu.memory_space<hbm>>
      %dma_wait3A_199 = arith.constant 0 : i32
      %dma_wait3A_200 = tpu.memref_slice %arg11[%scan3A_188, %dma_wait3A_199] : memref<24x128xi32, #tpu.memory_space<vmem>> -> memref<1x128xi32, #tpu.memory_space<vmem>>
      %dma_wait3A_201 = tpu.memref_squeeze %dma_wait3A_200 : memref<1x128xi32, #tpu.memory_space<vmem>> -> memref<128xi32, #tpu.memory_space<vmem>>
      %dma_wait3A_202 = tpu.memref_slice %arg3[%multiple_of3A_194] : memref<100000xi32, #tpu.memory_space<hbm>> -> memref<128xi32, #tpu.memory_space<hbm>>
      tpu.wait_dma2 semaphore(%arg25 : memref<!tpu.dma_semaphore, #tpu.memory_space<semaphore_mem>>) src(%dma_wait3A_202 : memref<128xi32, #tpu.memory_space<hbm>>) dst(%dma_wait3A_201 : memref<128xi32, #tpu.memory_space<vmem>>)
    }
    %scan3A_94 = arith.constant 24 : i32
    %lt3A_95 = arith.constant 13 : i32
    %lt3A_96 = arith.cmpi slt, %add3A, %lt3A_95 : i32
    %convert_element_type3A_97 = arith.extui %lt3A_96 : i1 to i32
    %cond3A_98 = arith.constant 0 : i32
    %cond3A_99 = arith.cmpi ne, %convert_element_type3A_97, %cond3A_98 : i32
    scf.if %cond3A_99 {
      %dma_wait3A_188 = arith.constant 0 : i32
      %dma_wait3A_189 = arith.constant 0 : i32
      %dma_wait3A_190 = tpu.memref_slice %arg12[%dma_wait3A_188, %dma_wait3A_189] : memref<1x128xi32, #tpu.memory_space<vmem>> -> memref<1x128xi32, #tpu.memory_space<vmem>>
      %dma_wait3A_191 = tpu.memref_squeeze %dma_wait3A_190 : memref<1x128xi32, #tpu.memory_space<vmem>> -> memref<128xi32, #tpu.memory_space<vmem>>
      %dma_wait3A_192 = tpu.memref_slice %arg3[%multiple_of3A_67] : memref<100000xi32, #tpu.memory_space<hbm>> -> memref<128xi32, #tpu.memory_space<hbm>>
      %dma_wait3A_193 = arith.constant 0 : i32
      %dma_wait3A_194 = tpu.memref_slice %arg12[%dma_wait3A_188, %dma_wait3A_193] : memref<1x128xi32, #tpu.memory_space<vmem>> -> memref<1x128xi32, #tpu.memory_space<vmem>>
      %dma_wait3A_195 = tpu.memref_squeeze %dma_wait3A_194 : memref<1x128xi32, #tpu.memory_space<vmem>> -> memref<128xi32, #tpu.memory_space<vmem>>
      %dma_wait3A_196 = tpu.memref_slice %arg3[%multiple_of3A_67] : memref<100000xi32, #tpu.memory_space<hbm>> -> memref<128xi32, #tpu.memory_space<hbm>>
      tpu.wait_dma2 semaphore(%arg25 : memref<!tpu.dma_semaphore, #tpu.memory_space<semaphore_mem>>) src(%dma_wait3A_196 : memref<128xi32, #tpu.memory_space<hbm>>) dst(%dma_wait3A_195 : memref<128xi32, #tpu.memory_space<vmem>>)
    } else {
    }
    %eq3A_100 = arith.constant 13 : i32
    %eq3A_101 = arith.cmpi eq, %add3A, %eq3A_100 : i32
    %convert_element_type3A_102 = arith.extui %eq3A_101 : i1 to i32
    %cond3A_103 = arith.constant 0 : i32
    %cond3A_104 = arith.cmpi ne, %convert_element_type3A_102, %cond3A_103 : i32
    scf.if %cond3A_104 {
      %dma_wait3A_188 = arith.constant 0 : i32
      %dma_wait3A_189 = arith.constant 0 : i32
      %dma_wait3A_190 = tpu.memref_slice %arg13[%dma_wait3A_188, %dma_wait3A_189] : memref<1x32xi32, #tpu.memory_space<vmem>> -> memref<1x32xi32, #tpu.memory_space<vmem>>
      %dma_wait3A_191 = tpu.memref_squeeze %dma_wait3A_190 : memref<1x32xi32, #tpu.memory_space<vmem>> -> memref<32xi32, #tpu.memory_space<vmem>>
      %dma_wait3A_192 = arith.constant 99968 : i32
      %dma_wait3A_193 = tpu.memref_slice %arg3[%dma_wait3A_192] : memref<100000xi32, #tpu.memory_space<hbm>> -> memref<32xi32, #tpu.memory_space<hbm>>
      %dma_wait3A_194 = arith.constant 0 : i32
      %dma_wait3A_195 = tpu.memref_slice %arg13[%dma_wait3A_188, %dma_wait3A_194] : memref<1x32xi32, #tpu.memory_space<vmem>> -> memref<1x32xi32, #tpu.memory_space<vmem>>
      %dma_wait3A_196 = tpu.memref_squeeze %dma_wait3A_195 : memref<1x32xi32, #tpu.memory_space<vmem>> -> memref<32xi32, #tpu.memory_space<vmem>>
      %dma_wait3A_197 = arith.constant 99968 : i32
      %dma_wait3A_198 = tpu.memref_slice %arg3[%dma_wait3A_197] : memref<100000xi32, #tpu.memory_space<hbm>> -> memref<32xi32, #tpu.memory_space<hbm>>
      tpu.wait_dma2 semaphore(%arg25 : memref<!tpu.dma_semaphore, #tpu.memory_space<semaphore_mem>>) src(%dma_wait3A_198 : memref<32xi32, #tpu.memory_space<hbm>>) dst(%dma_wait3A_196 : memref<32xi32, #tpu.memory_space<vmem>>)
    } else {
    }
    %barrier3A = arith.constant 0 : index
    tpu.barrier barrier_id(%barrier3A)
    %lt3A_105 = arith.constant 13 : i32
    %lt3A_106 = arith.cmpi slt, %add3A, %lt3A_105 : i32
    %convert_element_type3A_107 = arith.extui %lt3A_106 : i1 to i32
    %cond3A_108 = arith.constant 0 : i32
    %cond3A_109 = arith.cmpi ne, %convert_element_type3A_107, %cond3A_108 : i32
    scf.if %cond3A_109 {
      %dma_wait3A_188 = arith.constant 0 : i32
      %dma_wait3A_189 = tpu.memref_slice %arg2[%multiple_of3A_67, %dma_wait3A_188] : memref<100000x128xf32, #tpu.memory_space<hbm>> -> memref<128x128xf32, #tpu.memory_space<hbm>>
      %dma_wait3A_190 = arith.constant 0 : i32
      %dma_wait3A_191 = tpu.memref_slice %arg2[%multiple_of3A_67, %dma_wait3A_190] : memref<100000x128xf32, #tpu.memory_space<hbm>> -> memref<128x128xf32, #tpu.memory_space<hbm>>
      tpu.wait_dma2 semaphore(%arg26 : memref<!tpu.dma_semaphore, #tpu.memory_space<semaphore_mem>>) src(%dma_wait3A_191 : memref<128x128xf32, #tpu.memory_space<hbm>>) dst(%arg18 : memref<128x128xf32, #tpu.memory_space<vmem>>)
      %dma_start3A_192 = arith.constant 0 : i32
      %dma_start3A_193 = arith.constant 0 : i32
      %dma_start3A_194 = tpu.memref_slice %arg12[%dma_start3A_192, %dma_start3A_193] : memref<1x128xi32, #tpu.memory_space<vmem>> -> memref<1x128xi32, #tpu.memory_space<vmem>>
      %dma_start3A_195 = tpu.memref_squeeze %dma_start3A_194 : memref<1x128xi32, #tpu.memory_space<vmem>> -> memref<128xi32, #tpu.memory_space<vmem>>
      %dma_start3A_196 = arith.constant 0 : i32
      %dma_start3A_197 = arith.constant 0 : i32
      %dma_start3A_198 = tpu.memref_slice %arg22[%dma_start3A_196, %dma_start3A_197] : memref<1024x128xf32, #tpu.memory_space<vmem_shared>> -> memref<1024x128xf32, #tpu.memory_space<vmem_shared>>
      tpu.enqueue_indirect_dma source(%arg18 : memref<128x128xf32, #tpu.memory_space<vmem>>) target(%dma_start3A_198 : memref<1024x128xf32, #tpu.memory_space<vmem_shared>>) offsets(%dma_start3A_195 : memref<128xi32, #tpu.memory_space<vmem>>) semaphore(%arg36 : memref<!tpu.dma_semaphore, #tpu.memory_space<semaphore_mem>>) {add = true}
      %dma_start3A_199 = arith.constant 0 : i32
      %dma_start3A_200 = arith.constant 0 : i32
      %dma_start3A_201 = tpu.memref_slice %arg12[%dma_start3A_199, %dma_start3A_200] : memref<1x128xi32, #tpu.memory_space<vmem>> -> memref<1x128xi32, #tpu.memory_space<vmem>>
      %dma_start3A_202 = tpu.memref_squeeze %dma_start3A_201 : memref<1x128xi32, #tpu.memory_space<vmem>> -> memref<128xi32, #tpu.memory_space<vmem>>
      %dma_start3A_203 = arith.constant 0 : i32
      %dma_start3A_204 = arith.constant 0 : i32
      %dma_start3A_205 = tpu.memref_slice %arg23[%dma_start3A_203, %dma_start3A_204] : memref<1024x16xf32, #tpu.memory_space<vmem_shared>> -> memref<1024x16xf32, #tpu.memory_space<vmem_shared>>
      tpu.enqueue_indirect_dma source(%arg19 : memref<128x16xf32, #tpu.memory_space<vmem>>) target(%dma_start3A_205 : memref<1024x16xf32, #tpu.memory_space<vmem_shared>>) offsets(%dma_start3A_202 : memref<128xi32, #tpu.memory_space<vmem>>) semaphore(%arg35 : memref<!tpu.dma_semaphore, #tpu.memory_space<semaphore_mem>>) {add = true}
    } else {
    }
    %eq3A_110 = arith.constant 13 : i32
    %eq3A_111 = arith.cmpi eq, %add3A, %eq3A_110 : i32
    %convert_element_type3A_112 = arith.extui %eq3A_111 : i1 to i32
    %cond3A_113 = arith.constant 0 : i32
    %cond3A_114 = arith.cmpi ne, %convert_element_type3A_112, %cond3A_113 : i32
    scf.if %cond3A_114 {
      %dma_wait3A_188 = arith.constant 0 : i32
      %dma_wait3A_189 = arith.constant 0 : i32
      %dma_wait3A_190 = tpu.memref_slice %arg18[%dma_wait3A_188, %dma_wait3A_189] : memref<128x128xf32, #tpu.memory_space<vmem>> -> memref<32x128xf32, #tpu.memory_space<vmem>>
      %dma_wait3A_191 = arith.constant 99968 : i32
      %dma_wait3A_192 = arith.constant 0 : i32
      %dma_wait3A_193 = tpu.memref_slice %arg2[%dma_wait3A_191, %dma_wait3A_192] : memref<100000x128xf32, #tpu.memory_space<hbm>> -> memref<32x128xf32, #tpu.memory_space<hbm>>
      %dma_wait3A_194 = arith.constant 0 : i32
      %dma_wait3A_195 = arith.constant 0 : i32
      %dma_wait3A_196 = tpu.memref_slice %arg18[%dma_wait3A_194, %dma_wait3A_195] : memref<128x128xf32, #tpu.memory_space<vmem>> -> memref<32x128xf32, #tpu.memory_space<vmem>>
      %dma_wait3A_197 = arith.constant 99968 : i32
      %dma_wait3A_198 = arith.constant 0 : i32
      %dma_wait3A_199 = tpu.memref_slice %arg2[%dma_wait3A_197, %dma_wait3A_198] : memref<100000x128xf32, #tpu.memory_space<hbm>> -> memref<32x128xf32, #tpu.memory_space<hbm>>
      tpu.wait_dma2 semaphore(%arg26 : memref<!tpu.dma_semaphore, #tpu.memory_space<semaphore_mem>>) src(%dma_wait3A_199 : memref<32x128xf32, #tpu.memory_space<hbm>>) dst(%dma_wait3A_196 : memref<32x128xf32, #tpu.memory_space<vmem>>)
      %dma_start3A_200 = arith.constant 0 : i32
      %dma_start3A_201 = arith.constant 0 : i32
      %dma_start3A_202 = arith.constant 0 : i32
      %dma_start3A_203 = tpu.memref_slice %arg18[%dma_start3A_201, %dma_start3A_202] : memref<128x128xf32, #tpu.memory_space<vmem>> -> memref<32x128xf32, #tpu.memory_space<vmem>>
      %dma_start3A_204 = arith.constant 0 : i32
      %dma_start3A_205 = tpu.memref_slice %arg13[%dma_start3A_200, %dma_start3A_204] : memref<1x32xi32, #tpu.memory_space<vmem>> -> memref<1x32xi32, #tpu.memory_space<vmem>>
      %dma_start3A_206 = tpu.memref_squeeze %dma_start3A_205 : memref<1x32xi32, #tpu.memory_space<vmem>> -> memref<32xi32, #tpu.memory_space<vmem>>
      %dma_start3A_207 = arith.constant 0 : i32
      %dma_start3A_208 = arith.constant 0 : i32
      %dma_start3A_209 = tpu.memref_slice %arg22[%dma_start3A_207, %dma_start3A_208] : memref<1024x128xf32, #tpu.memory_space<vmem_shared>> -> memref<1024x128xf32, #tpu.memory_space<vmem_shared>>
      tpu.enqueue_indirect_dma source(%dma_start3A_203 : memref<32x128xf32, #tpu.memory_space<vmem>>) target(%dma_start3A_209 : memref<1024x128xf32, #tpu.memory_space<vmem_shared>>) offsets(%dma_start3A_206 : memref<32xi32, #tpu.memory_space<vmem>>) semaphore(%arg36 : memref<!tpu.dma_semaphore, #tpu.memory_space<semaphore_mem>>) {add = true}
      %dma_start3A_210 = arith.constant 0 : i32
      %dma_start3A_211 = arith.constant 0 : i32
      %dma_start3A_212 = arith.constant 0 : i32
      %dma_start3A_213 = tpu.memref_slice %arg19[%dma_start3A_211, %dma_start3A_212] : memref<128x16xf32, #tpu.memory_space<vmem>> -> memref<32x16xf32, #tpu.memory_space<vmem>>
      %dma_start3A_214 = arith.constant 0 : i32
      %dma_start3A_215 = tpu.memref_slice %arg13[%dma_start3A_210, %dma_start3A_214] : memref<1x32xi32, #tpu.memory_space<vmem>> -> memref<1x32xi32, #tpu.memory_space<vmem>>
      %dma_start3A_216 = tpu.memref_squeeze %dma_start3A_215 : memref<1x32xi32, #tpu.memory_space<vmem>> -> memref<32xi32, #tpu.memory_space<vmem>>
      %dma_start3A_217 = arith.constant 0 : i32
      %dma_start3A_218 = arith.constant 0 : i32
      %dma_start3A_219 = tpu.memref_slice %arg23[%dma_start3A_217, %dma_start3A_218] : memref<1024x16xf32, #tpu.memory_space<vmem_shared>> -> memref<1024x16xf32, #tpu.memory_space<vmem_shared>>
      tpu.enqueue_indirect_dma source(%dma_start3A_213 : memref<32x16xf32, #tpu.memory_space<vmem>>) target(%dma_start3A_219 : memref<1024x16xf32, #tpu.memory_space<vmem_shared>>) offsets(%dma_start3A_216 : memref<32xi32, #tpu.memory_space<vmem>>) semaphore(%arg35 : memref<!tpu.dma_semaphore, #tpu.memory_space<semaphore_mem>>) {add = true}
    } else {
    }
    %scan3A_115 = arith.constant 0 : i32
    %scan3A_116 = arith.constant 0 : i32
    %scan3A_117 = arith.constant 6 : i32
    %scan3A_118 = arith.addi %scan3A_116, %scan3A_117 : i32
    %scan3A_119 = arith.constant 1 : i32
    scf.for %scan3A_188 = %scan3A_116 to %scan3A_118 step %scan3A_119  : i32 {
      %mul3A_189 = arith.constant 4 : i32
      %mul3A_190 = arith.muli %scan3A_188, %mul3A_189 : i32
      %add3A_191 = arith.constant 0 : i32
      %add3A_192 = arith.addi %mul3A_190, %add3A_191 : i32
      %mul3A_193 = arith.constant 24 : i32
      %mul3A_194 = arith.muli %add3A, %mul3A_193 : i32
      %add3A_195 = arith.addi %mul3A_194, %add3A_192 : i32
      %mul3A_196 = arith.constant 128 : i32
      %mul3A_197 = arith.muli %add3A_195, %mul3A_196 : i32
      %multiple_of3A_198 = tpu.assume_multiple %mul3A_197, 8 : i32
      %dma_wait3A_199 = arith.constant 0 : i32
      %dma_wait3A_200 = tpu.memref_slice %arg2[%multiple_of3A_198, %dma_wait3A_199] : memref<100000x128xf32, #tpu.memory_space<hbm>> -> memref<128x128xf32, #tpu.memory_space<hbm>>
      %dma_wait3A_201 = arith.constant 0 : i32
      %dma_wait3A_202 = tpu.memref_slice %arg2[%multiple_of3A_198, %dma_wait3A_201] : memref<100000x128xf32, #tpu.memory_space<hbm>> -> memref<128x128xf32, #tpu.memory_space<hbm>>
      tpu.wait_dma2 semaphore(%arg27 : memref<!tpu.dma_semaphore, #tpu.memory_space<semaphore_mem>>) src(%dma_wait3A_202 : memref<128x128xf32, #tpu.memory_space<hbm>>) dst(%arg14 : memref<128x128xf32, #tpu.memory_space<vmem>>)
      %add3A_203 = arith.constant 0 : i32
      %add3A_204 = arith.addi %mul3A_190, %add3A_203 : i32
      %dma_start3A_205 = arith.constant 0 : i32
      %dma_start3A_206 = tpu.memref_slice %arg11[%add3A_204, %dma_start3A_205] : memref<24x128xi32, #tpu.memory_space<vmem>> -> memref<1x128xi32, #tpu.memory_space<vmem>>
      %dma_start3A_207 = tpu.memref_squeeze %dma_start3A_206 : memref<1x128xi32, #tpu.memory_space<vmem>> -> memref<128xi32, #tpu.memory_space<vmem>>
      %dma_start3A_208 = arith.constant 0 : i32
      %dma_start3A_209 = arith.constant 0 : i32
      %dma_start3A_210 = tpu.memref_slice %arg22[%dma_start3A_208, %dma_start3A_209] : memref<1024x128xf32, #tpu.memory_space<vmem_shared>> -> memref<1024x128xf32, #tpu.memory_space<vmem_shared>>
      tpu.enqueue_indirect_dma source(%arg14 : memref<128x128xf32, #tpu.memory_space<vmem>>) target(%dma_start3A_210 : memref<1024x128xf32, #tpu.memory_space<vmem_shared>>) offsets(%dma_start3A_207 : memref<128xi32, #tpu.memory_space<vmem>>) semaphore(%arg31 : memref<!tpu.dma_semaphore, #tpu.memory_space<semaphore_mem>>) {add = true}
      %add3A_211 = arith.constant 0 : i32
      %add3A_212 = arith.addi %mul3A_190, %add3A_211 : i32
      %dma_start3A_213 = arith.constant 0 : i32
      %dma_start3A_214 = tpu.memref_slice %arg11[%add3A_212, %dma_start3A_213] : memref<24x128xi32, #tpu.memory_space<vmem>> -> memref<1x128xi32, #tpu.memory_space<vmem>>
      %dma_start3A_215 = tpu.memref_squeeze %dma_start3A_214 : memref<1x128xi32, #tpu.memory_space<vmem>> -> memref<128xi32, #tpu.memory_space<vmem>>
      %dma_start3A_216 = arith.constant 0 : i32
      %dma_start3A_217 = arith.constant 0 : i32
      %dma_start3A_218 = tpu.memref_slice %arg23[%dma_start3A_216, %dma_start3A_217] : memref<1024x16xf32, #tpu.memory_space<vmem_shared>> -> memref<1024x16xf32, #tpu.memory_space<vmem_shared>>
      tpu.enqueue_indirect_dma source(%arg19 : memref<128x16xf32, #tpu.memory_space<vmem>>) target(%dma_start3A_218 : memref<1024x16xf32, #tpu.memory_space<vmem_shared>>) offsets(%dma_start3A_215 : memref<128xi32, #tpu.memory_space<vmem>>) semaphore(%arg35 : memref<!tpu.dma_semaphore, #tpu.memory_space<semaphore_mem>>) {add = true}
      %add3A_219 = arith.constant 1 : i32
      %add3A_220 = arith.addi %mul3A_190, %add3A_219 : i32
      %mul3A_221 = arith.constant 24 : i32
      %mul3A_222 = arith.muli %add3A, %mul3A_221 : i32
      %add3A_223 = arith.addi %mul3A_222, %add3A_220 : i32
      %mul3A_224 = arith.constant 128 : i32
      %mul3A_225 = arith.muli %add3A_223, %mul3A_224 : i32
      %multiple_of3A_226 = tpu.assume_multiple %mul3A_225, 8 : i32
      %dma_wait3A_227 = arith.constant 0 : i32
      %dma_wait3A_228 = tpu.memref_slice %arg2[%multiple_of3A_226, %dma_wait3A_227] : memref<100000x128xf32, #tpu.memory_space<hbm>> -> memref<128x128xf32, #tpu.memory_space<hbm>>
      %dma_wait3A_229 = arith.constant 0 : i32
      %dma_wait3A_230 = tpu.memref_slice %arg2[%multiple_of3A_226, %dma_wait3A_229] : memref<100000x128xf32, #tpu.memory_space<hbm>> -> memref<128x128xf32, #tpu.memory_space<hbm>>
      tpu.wait_dma2 semaphore(%arg28 : memref<!tpu.dma_semaphore, #tpu.memory_space<semaphore_mem>>) src(%dma_wait3A_230 : memref<128x128xf32, #tpu.memory_space<hbm>>) dst(%arg15 : memref<128x128xf32, #tpu.memory_space<vmem>>)
      %add3A_231 = arith.constant 1 : i32
      %add3A_232 = arith.addi %mul3A_190, %add3A_231 : i32
      %dma_start3A_233 = arith.constant 0 : i32
      %dma_start3A_234 = tpu.memref_slice %arg11[%add3A_232, %dma_start3A_233] : memref<24x128xi32, #tpu.memory_space<vmem>> -> memref<1x128xi32, #tpu.memory_space<vmem>>
      %dma_start3A_235 = tpu.memref_squeeze %dma_start3A_234 : memref<1x128xi32, #tpu.memory_space<vmem>> -> memref<128xi32, #tpu.memory_space<vmem>>
      %dma_start3A_236 = arith.constant 0 : i32
      %dma_start3A_237 = arith.constant 0 : i32
      %dma_start3A_238 = tpu.memref_slice %arg22[%dma_start3A_236, %dma_start3A_237] : memref<1024x128xf32, #tpu.memory_space<vmem_shared>> -> memref<1024x128xf32, #tpu.memory_space<vmem_shared>>
      tpu.enqueue_indirect_dma source(%arg15 : memref<128x128xf32, #tpu.memory_space<vmem>>) target(%dma_start3A_238 : memref<1024x128xf32, #tpu.memory_space<vmem_shared>>) offsets(%dma_start3A_235 : memref<128xi32, #tpu.memory_space<vmem>>) semaphore(%arg32 : memref<!tpu.dma_semaphore, #tpu.memory_space<semaphore_mem>>) {add = true}
      %add3A_239 = arith.constant 1 : i32
      %add3A_240 = arith.addi %mul3A_190, %add3A_239 : i32
      %dma_start3A_241 = arith.constant 0 : i32
      %dma_start3A_242 = tpu.memref_slice %arg11[%add3A_240, %dma_start3A_241] : memref<24x128xi32, #tpu.memory_space<vmem>> -> memref<1x128xi32, #tpu.memory_space<vmem>>
      %dma_start3A_243 = tpu.memref_squeeze %dma_start3A_242 : memref<1x128xi32, #tpu.memory_space<vmem>> -> memref<128xi32, #tpu.memory_space<vmem>>
      %dma_start3A_244 = arith.constant 0 : i32
      %dma_start3A_245 = arith.constant 0 : i32
      %dma_start3A_246 = tpu.memref_slice %arg23[%dma_start3A_244, %dma_start3A_245] : memref<1024x16xf32, #tpu.memory_space<vmem_shared>> -> memref<1024x16xf32, #tpu.memory_space<vmem_shared>>
      tpu.enqueue_indirect_dma source(%arg19 : memref<128x16xf32, #tpu.memory_space<vmem>>) target(%dma_start3A_246 : memref<1024x16xf32, #tpu.memory_space<vmem_shared>>) offsets(%dma_start3A_243 : memref<128xi32, #tpu.memory_space<vmem>>) semaphore(%arg35 : memref<!tpu.dma_semaphore, #tpu.memory_space<semaphore_mem>>) {add = true}
      %add3A_247 = arith.constant 2 : i32
      %add3A_248 = arith.addi %mul3A_190, %add3A_247 : i32
      %mul3A_249 = arith.constant 24 : i32
      %mul3A_250 = arith.muli %add3A, %mul3A_249 : i32
      %add3A_251 = arith.addi %mul3A_250, %add3A_248 : i32
      %mul3A_252 = arith.constant 128 : i32
      %mul3A_253 = arith.muli %add3A_251, %mul3A_252 : i32
      %multiple_of3A_254 = tpu.assume_multiple %mul3A_253, 8 : i32
      %dma_wait3A_255 = arith.constant 0 : i32
      %dma_wait3A_256 = tpu.memref_slice %arg2[%multiple_of3A_254, %dma_wait3A_255] : memref<100000x128xf32, #tpu.memory_space<hbm>> -> memref<128x128xf32, #tpu.memory_space<hbm>>
      %dma_wait3A_257 = arith.constant 0 : i32
      %dma_wait3A_258 = tpu.memref_slice %arg2[%multiple_of3A_254, %dma_wait3A_257] : memref<100000x128xf32, #tpu.memory_space<hbm>> -> memref<128x128xf32, #tpu.memory_space<hbm>>
      tpu.wait_dma2 semaphore(%arg29 : memref<!tpu.dma_semaphore, #tpu.memory_space<semaphore_mem>>) src(%dma_wait3A_258 : memref<128x128xf32, #tpu.memory_space<hbm>>) dst(%arg16 : memref<128x128xf32, #tpu.memory_space<vmem>>)
      %add3A_259 = arith.constant 2 : i32
      %add3A_260 = arith.addi %mul3A_190, %add3A_259 : i32
      %dma_start3A_261 = arith.constant 0 : i32
      %dma_start3A_262 = tpu.memref_slice %arg11[%add3A_260, %dma_start3A_261] : memref<24x128xi32, #tpu.memory_space<vmem>> -> memref<1x128xi32, #tpu.memory_space<vmem>>
      %dma_start3A_263 = tpu.memref_squeeze %dma_start3A_262 : memref<1x128xi32, #tpu.memory_space<vmem>> -> memref<128xi32, #tpu.memory_space<vmem>>
      %dma_start3A_264 = arith.constant 0 : i32
      %dma_start3A_265 = arith.constant 0 : i32
      %dma_start3A_266 = tpu.memref_slice %arg22[%dma_start3A_264, %dma_start3A_265] : memref<1024x128xf32, #tpu.memory_space<vmem_shared>> -> memref<1024x128xf32, #tpu.memory_space<vmem_shared>>
      tpu.enqueue_indirect_dma source(%arg16 : memref<128x128xf32, #tpu.memory_space<vmem>>) target(%dma_start3A_266 : memref<1024x128xf32, #tpu.memory_space<vmem_shared>>) offsets(%dma_start3A_263 : memref<128xi32, #tpu.memory_space<vmem>>) semaphore(%arg33 : memref<!tpu.dma_semaphore, #tpu.memory_space<semaphore_mem>>) {add = true}
      %add3A_267 = arith.constant 2 : i32
      %add3A_268 = arith.addi %mul3A_190, %add3A_267 : i32
      %dma_start3A_269 = arith.constant 0 : i32
      %dma_start3A_270 = tpu.memref_slice %arg11[%add3A_268, %dma_start3A_269] : memref<24x128xi32, #tpu.memory_space<vmem>> -> memref<1x128xi32, #tpu.memory_space<vmem>>
      %dma_start3A_271 = tpu.memref_squeeze %dma_start3A_270 : memref<1x128xi32, #tpu.memory_space<vmem>> -> memref<128xi32, #tpu.memory_space<vmem>>
      %dma_start3A_272 = arith.constant 0 : i32
      %dma_start3A_273 = arith.constant 0 : i32
      %dma_start3A_274 = tpu.memref_slice %arg23[%dma_start3A_272, %dma_start3A_273] : memref<1024x16xf32, #tpu.memory_space<vmem_shared>> -> memref<1024x16xf32, #tpu.memory_space<vmem_shared>>
      tpu.enqueue_indirect_dma source(%arg19 : memref<128x16xf32, #tpu.memory_space<vmem>>) target(%dma_start3A_274 : memref<1024x16xf32, #tpu.memory_space<vmem_shared>>) offsets(%dma_start3A_271 : memref<128xi32, #tpu.memory_space<vmem>>) semaphore(%arg35 : memref<!tpu.dma_semaphore, #tpu.memory_space<semaphore_mem>>) {add = true}
      %add3A_275 = arith.constant 3 : i32
      %add3A_276 = arith.addi %mul3A_190, %add3A_275 : i32
      %mul3A_277 = arith.constant 24 : i32
      %mul3A_278 = arith.muli %add3A, %mul3A_277 : i32
      %add3A_279 = arith.addi %mul3A_278, %add3A_276 : i32
      %mul3A_280 = arith.constant 128 : i32
      %mul3A_281 = arith.muli %add3A_279, %mul3A_280 : i32
      %multiple_of3A_282 = tpu.assume_multiple %mul3A_281, 8 : i32
      %dma_wait3A_283 = arith.constant 0 : i32
      %dma_wait3A_284 = tpu.memref_slice %arg2[%multiple_of3A_282, %dma_wait3A_283] : memref<100000x128xf32, #tpu.memory_space<hbm>> -> memref<128x128xf32, #tpu.memory_space<hbm>>
      %dma_wait3A_285 = arith.constant 0 : i32
      %dma_wait3A_286 = tpu.memref_slice %arg2[%multiple_of3A_282, %dma_wait3A_285] : memref<100000x128xf32, #tpu.memory_space<hbm>> -> memref<128x128xf32, #tpu.memory_space<hbm>>
      tpu.wait_dma2 semaphore(%arg30 : memref<!tpu.dma_semaphore, #tpu.memory_space<semaphore_mem>>) src(%dma_wait3A_286 : memref<128x128xf32, #tpu.memory_space<hbm>>) dst(%arg17 : memref<128x128xf32, #tpu.memory_space<vmem>>)
      %add3A_287 = arith.constant 3 : i32
      %add3A_288 = arith.addi %mul3A_190, %add3A_287 : i32
      %dma_start3A_289 = arith.constant 0 : i32
      %dma_start3A_290 = tpu.memref_slice %arg11[%add3A_288, %dma_start3A_289] : memref<24x128xi32, #tpu.memory_space<vmem>> -> memref<1x128xi32, #tpu.memory_space<vmem>>
      %dma_start3A_291 = tpu.memref_squeeze %dma_start3A_290 : memref<1x128xi32, #tpu.memory_space<vmem>> -> memref<128xi32, #tpu.memory_space<vmem>>
      %dma_start3A_292 = arith.constant 0 : i32
      %dma_start3A_293 = arith.constant 0 : i32
      %dma_start3A_294 = tpu.memref_slice %arg22[%dma_start3A_292, %dma_start3A_293] : memref<1024x128xf32, #tpu.memory_space<vmem_shared>> -> memref<1024x128xf32, #tpu.memory_space<vmem_shared>>
      tpu.enqueue_indirect_dma source(%arg17 : memref<128x128xf32, #tpu.memory_space<vmem>>) target(%dma_start3A_294 : memref<1024x128xf32, #tpu.memory_space<vmem_shared>>) offsets(%dma_start3A_291 : memref<128xi32, #tpu.memory_space<vmem>>) semaphore(%arg34 : memref<!tpu.dma_semaphore, #tpu.memory_space<semaphore_mem>>) {add = true}
      %add3A_295 = arith.constant 3 : i32
      %add3A_296 = arith.addi %mul3A_190, %add3A_295 : i32
      %dma_start3A_297 = arith.constant 0 : i32
      %dma_start3A_298 = tpu.memref_slice %arg11[%add3A_296, %dma_start3A_297] : memref<24x128xi32, #tpu.memory_space<vmem>> -> memref<1x128xi32, #tpu.memory_space<vmem>>
      %dma_start3A_299 = tpu.memref_squeeze %dma_start3A_298 : memref<1x128xi32, #tpu.memory_space<vmem>> -> memref<128xi32, #tpu.memory_space<vmem>>
      %dma_start3A_300 = arith.constant 0 : i32
      %dma_start3A_301 = arith.constant 0 : i32
      %dma_start3A_302 = tpu.memref_slice %arg23[%dma_start3A_300, %dma_start3A_301] : memref<1024x16xf32, #tpu.memory_space<vmem_shared>> -> memref<1024x16xf32, #tpu.memory_space<vmem_shared>>
      tpu.enqueue_indirect_dma source(%arg19 : memref<128x16xf32, #tpu.memory_space<vmem>>) target(%dma_start3A_302 : memref<1024x16xf32, #tpu.memory_space<vmem_shared>>) offsets(%dma_start3A_299 : memref<128xi32, #tpu.memory_space<vmem>>) semaphore(%arg35 : memref<!tpu.dma_semaphore, #tpu.memory_space<semaphore_mem>>) {add = true}
      %add3A_303 = arith.constant 4 : i32
      %add3A_304 = arith.addi %mul3A_190, %add3A_303 : i32
      %add3A_305 = arith.constant 0 : i32
      %add3A_306 = arith.addi %add3A_304, %add3A_305 : i32
      %lt3A_307 = arith.constant 24 : i32
      %lt3A_308 = arith.cmpi slt, %add3A_306, %lt3A_307 : i32
      %convert_element_type3A_309 = arith.extui %lt3A_308 : i1 to i32
      %cond3A_310 = arith.constant 0 : i32
      %cond3A_311 = arith.cmpi ne, %convert_element_type3A_309, %cond3A_310 : i32
      scf.if %cond3A_311 {
        %add3A_339 = arith.constant 0 : i32
        %add3A_340 = arith.addi %mul3A_190, %add3A_339 : i32
        %dma_wait3A_341 = arith.constant 0 : i32
        %dma_wait3A_342 = tpu.memref_slice %arg11[%add3A_340, %dma_wait3A_341] : memref<24x128xi32, #tpu.memory_space<vmem>> -> memref<1x128xi32, #tpu.memory_space<vmem>>
        %dma_wait3A_343 = tpu.memref_squeeze %dma_wait3A_342 : memref<1x128xi32, #tpu.memory_space<vmem>> -> memref<128xi32, #tpu.memory_space<vmem>>
        %dma_wait3A_344 = arith.constant 0 : i32
        %dma_wait3A_345 = arith.constant 0 : i32
        %dma_wait3A_346 = tpu.memref_slice %arg22[%dma_wait3A_344, %dma_wait3A_345] : memref<1024x128xf32, #tpu.memory_space<vmem_shared>> -> memref<1024x128xf32, #tpu.memory_space<vmem_shared>>
        tpu.wait_indirect_dma semaphore(%arg31 : memref<!tpu.dma_semaphore, #tpu.memory_space<semaphore_mem>>) src(%arg14 : memref<128x128xf32, #tpu.memory_space<vmem>>) dst(%dma_wait3A_346 : memref<1024x128xf32, #tpu.memory_space<vmem_shared>>)
        %add3A_347 = arith.constant 4 : i32
        %add3A_348 = arith.addi %mul3A_190, %add3A_347 : i32
        %add3A_349 = arith.constant 0 : i32
        %add3A_350 = arith.addi %add3A_348, %add3A_349 : i32
        %mul3A_351 = arith.constant 24 : i32
        %mul3A_352 = arith.muli %add3A, %mul3A_351 : i32
        %add3A_353 = arith.addi %mul3A_352, %add3A_350 : i32
        %mul3A_354 = arith.constant 128 : i32
        %mul3A_355 = arith.muli %add3A_353, %mul3A_354 : i32
        %multiple_of3A_356 = tpu.assume_multiple %mul3A_355, 8 : i32
        %dma_start3A_357 = arith.constant 0 : i32
        %dma_start3A_358 = tpu.memref_slice %arg2[%multiple_of3A_356, %dma_start3A_357] : memref<100000x128xf32, #tpu.memory_space<hbm>> -> memref<128x128xf32, #tpu.memory_space<hbm>>
        %dma_start3A_359 = arith.constant 0 : i32
        %dma_start3A_360 = tpu.memref_slice %arg2[%multiple_of3A_356, %dma_start3A_359] : memref<100000x128xf32, #tpu.memory_space<hbm>> -> memref<128x128xf32, #tpu.memory_space<hbm>>
        tpu.enqueue_dma source(%dma_start3A_360 : memref<128x128xf32, #tpu.memory_space<hbm>>) target(%arg14 : memref<128x128xf32, #tpu.memory_space<vmem>>) target_semaphore(%arg27 : memref<!tpu.dma_semaphore, #tpu.memory_space<semaphore_mem>>)
      } else {
      }
      %add3A_312 = arith.constant 4 : i32
      %add3A_313 = arith.addi %mul3A_190, %add3A_312 : i32
      %add3A_314 = arith.constant 1 : i32
      %add3A_315 = arith.addi %add3A_313, %add3A_314 : i32
      %lt3A_316 = arith.constant 24 : i32
      %lt3A_317 = arith.cmpi slt, %add3A_315, %lt3A_316 : i32
      %convert_element_type3A_318 = arith.extui %lt3A_317 : i1 to i32
      %cond3A_319 = arith.constant 0 : i32
      %cond3A_320 = arith.cmpi ne, %convert_element_type3A_318, %cond3A_319 : i32
      scf.if %cond3A_320 {
        %add3A_339 = arith.constant 1 : i32
        %add3A_340 = arith.addi %mul3A_190, %add3A_339 : i32
        %dma_wait3A_341 = arith.constant 0 : i32
        %dma_wait3A_342 = tpu.memref_slice %arg11[%add3A_340, %dma_wait3A_341] : memref<24x128xi32, #tpu.memory_space<vmem>> -> memref<1x128xi32, #tpu.memory_space<vmem>>
        %dma_wait3A_343 = tpu.memref_squeeze %dma_wait3A_342 : memref<1x128xi32, #tpu.memory_space<vmem>> -> memref<128xi32, #tpu.memory_space<vmem>>
        %dma_wait3A_344 = arith.constant 0 : i32
        %dma_wait3A_345 = arith.constant 0 : i32
        %dma_wait3A_346 = tpu.memref_slice %arg22[%dma_wait3A_344, %dma_wait3A_345] : memref<1024x128xf32, #tpu.memory_space<vmem_shared>> -> memref<1024x128xf32, #tpu.memory_space<vmem_shared>>
        tpu.wait_indirect_dma semaphore(%arg32 : memref<!tpu.dma_semaphore, #tpu.memory_space<semaphore_mem>>) src(%arg15 : memref<128x128xf32, #tpu.memory_space<vmem>>) dst(%dma_wait3A_346 : memref<1024x128xf32, #tpu.memory_space<vmem_shared>>)
        %add3A_347 = arith.constant 4 : i32
        %add3A_348 = arith.addi %mul3A_190, %add3A_347 : i32
        %add3A_349 = arith.constant 1 : i32
        %add3A_350 = arith.addi %add3A_348, %add3A_349 : i32
        %mul3A_351 = arith.constant 24 : i32
        %mul3A_352 = arith.muli %add3A, %mul3A_351 : i32
        %add3A_353 = arith.addi %mul3A_352, %add3A_350 : i32
        %mul3A_354 = arith.constant 128 : i32
        %mul3A_355 = arith.muli %add3A_353, %mul3A_354 : i32
        %multiple_of3A_356 = tpu.assume_multiple %mul3A_355, 8 : i32
        %dma_start3A_357 = arith.constant 0 : i32
        %dma_start3A_358 = tpu.memref_slice %arg2[%multiple_of3A_356, %dma_start3A_357] : memref<100000x128xf32, #tpu.memory_space<hbm>> -> memref<128x128xf32, #tpu.memory_space<hbm>>
        %dma_start3A_359 = arith.constant 0 : i32
        %dma_start3A_360 = tpu.memref_slice %arg2[%multiple_of3A_356, %dma_start3A_359] : memref<100000x128xf32, #tpu.memory_space<hbm>> -> memref<128x128xf32, #tpu.memory_space<hbm>>
        tpu.enqueue_dma source(%dma_start3A_360 : memref<128x128xf32, #tpu.memory_space<hbm>>) target(%arg15 : memref<128x128xf32, #tpu.memory_space<vmem>>) target_semaphore(%arg28 : memref<!tpu.dma_semaphore, #tpu.memory_space<semaphore_mem>>)
      } else {
      }
      %add3A_321 = arith.constant 4 : i32
      %add3A_322 = arith.addi %mul3A_190, %add3A_321 : i32
      %add3A_323 = arith.constant 2 : i32
      %add3A_324 = arith.addi %add3A_322, %add3A_323 : i32
      %lt3A_325 = arith.constant 24 : i32
      %lt3A_326 = arith.cmpi slt, %add3A_324, %lt3A_325 : i32
      %convert_element_type3A_327 = arith.extui %lt3A_326 : i1 to i32
      %cond3A_328 = arith.constant 0 : i32
      %cond3A_329 = arith.cmpi ne, %convert_element_type3A_327, %cond3A_328 : i32
      scf.if %cond3A_329 {
        %add3A_339 = arith.constant 2 : i32
        %add3A_340 = arith.addi %mul3A_190, %add3A_339 : i32
        %dma_wait3A_341 = arith.constant 0 : i32
        %dma_wait3A_342 = tpu.memref_slice %arg11[%add3A_340, %dma_wait3A_341] : memref<24x128xi32, #tpu.memory_space<vmem>> -> memref<1x128xi32, #tpu.memory_space<vmem>>
        %dma_wait3A_343 = tpu.memref_squeeze %dma_wait3A_342 : memref<1x128xi32, #tpu.memory_space<vmem>> -> memref<128xi32, #tpu.memory_space<vmem>>
        %dma_wait3A_344 = arith.constant 0 : i32
        %dma_wait3A_345 = arith.constant 0 : i32
        %dma_wait3A_346 = tpu.memref_slice %arg22[%dma_wait3A_344, %dma_wait3A_345] : memref<1024x128xf32, #tpu.memory_space<vmem_shared>> -> memref<1024x128xf32, #tpu.memory_space<vmem_shared>>
        tpu.wait_indirect_dma semaphore(%arg33 : memref<!tpu.dma_semaphore, #tpu.memory_space<semaphore_mem>>) src(%arg16 : memref<128x128xf32, #tpu.memory_space<vmem>>) dst(%dma_wait3A_346 : memref<1024x128xf32, #tpu.memory_space<vmem_shared>>)
        %add3A_347 = arith.constant 4 : i32
        %add3A_348 = arith.addi %mul3A_190, %add3A_347 : i32
        %add3A_349 = arith.constant 2 : i32
        %add3A_350 = arith.addi %add3A_348, %add3A_349 : i32
        %mul3A_351 = arith.constant 24 : i32
        %mul3A_352 = arith.muli %add3A, %mul3A_351 : i32
        %add3A_353 = arith.addi %mul3A_352, %add3A_350 : i32
        %mul3A_354 = arith.constant 128 : i32
        %mul3A_355 = arith.muli %add3A_353, %mul3A_354 : i32
        %multiple_of3A_356 = tpu.assume_multiple %mul3A_355, 8 : i32
        %dma_start3A_357 = arith.constant 0 : i32
        %dma_start3A_358 = tpu.memref_slice %arg2[%multiple_of3A_356, %dma_start3A_357] : memref<100000x128xf32, #tpu.memory_space<hbm>> -> memref<128x128xf32, #tpu.memory_space<hbm>>
        %dma_start3A_359 = arith.constant 0 : i32
        %dma_start3A_360 = tpu.memref_slice %arg2[%multiple_of3A_356, %dma_start3A_359] : memref<100000x128xf32, #tpu.memory_space<hbm>> -> memref<128x128xf32, #tpu.memory_space<hbm>>
        tpu.enqueue_dma source(%dma_start3A_360 : memref<128x128xf32, #tpu.memory_space<hbm>>) target(%arg16 : memref<128x128xf32, #tpu.memory_space<vmem>>) target_semaphore(%arg29 : memref<!tpu.dma_semaphore, #tpu.memory_space<semaphore_mem>>)
      } else {
      }
      %add3A_330 = arith.constant 4 : i32
      %add3A_331 = arith.addi %mul3A_190, %add3A_330 : i32
      %add3A_332 = arith.constant 3 : i32
      %add3A_333 = arith.addi %add3A_331, %add3A_332 : i32
      %lt3A_334 = arith.constant 24 : i32
      %lt3A_335 = arith.cmpi slt, %add3A_333, %lt3A_334 : i32
      %convert_element_type3A_336 = arith.extui %lt3A_335 : i1 to i32
      %cond3A_337 = arith.constant 0 : i32
      %cond3A_338 = arith.cmpi ne, %convert_element_type3A_336, %cond3A_337 : i32
      scf.if %cond3A_338 {
        %add3A_339 = arith.constant 3 : i32
        %add3A_340 = arith.addi %mul3A_190, %add3A_339 : i32
        %dma_wait3A_341 = arith.constant 0 : i32
        %dma_wait3A_342 = tpu.memref_slice %arg11[%add3A_340, %dma_wait3A_341] : memref<24x128xi32, #tpu.memory_space<vmem>> -> memref<1x128xi32, #tpu.memory_space<vmem>>
        %dma_wait3A_343 = tpu.memref_squeeze %dma_wait3A_342 : memref<1x128xi32, #tpu.memory_space<vmem>> -> memref<128xi32, #tpu.memory_space<vmem>>
        %dma_wait3A_344 = arith.constant 0 : i32
        %dma_wait3A_345 = arith.constant 0 : i32
        %dma_wait3A_346 = tpu.memref_slice %arg22[%dma_wait3A_344, %dma_wait3A_345] : memref<1024x128xf32, #tpu.memory_space<vmem_shared>> -> memref<1024x128xf32, #tpu.memory_space<vmem_shared>>
        tpu.wait_indirect_dma semaphore(%arg34 : memref<!tpu.dma_semaphore, #tpu.memory_space<semaphore_mem>>) src(%arg17 : memref<128x128xf32, #tpu.memory_space<vmem>>) dst(%dma_wait3A_346 : memref<1024x128xf32, #tpu.memory_space<vmem_shared>>)
        %add3A_347 = arith.constant 4 : i32
        %add3A_348 = arith.addi %mul3A_190, %add3A_347 : i32
        %add3A_349 = arith.constant 3 : i32
        %add3A_350 = arith.addi %add3A_348, %add3A_349 : i32
        %mul3A_351 = arith.constant 24 : i32
        %mul3A_352 = arith.muli %add3A, %mul3A_351 : i32
        %add3A_353 = arith.addi %mul3A_352, %add3A_350 : i32
        %mul3A_354 = arith.constant 128 : i32
        %mul3A_355 = arith.muli %add3A_353, %mul3A_354 : i32
        %multiple_of3A_356 = tpu.assume_multiple %mul3A_355, 8 : i32
        %dma_start3A_357 = arith.constant 0 : i32
        %dma_start3A_358 = tpu.memref_slice %arg2[%multiple_of3A_356, %dma_start3A_357] : memref<100000x128xf32, #tpu.memory_space<hbm>> -> memref<128x128xf32, #tpu.memory_space<hbm>>
        %dma_start3A_359 = arith.constant 0 : i32
        %dma_start3A_360 = tpu.memref_slice %arg2[%multiple_of3A_356, %dma_start3A_359] : memref<100000x128xf32, #tpu.memory_space<hbm>> -> memref<128x128xf32, #tpu.memory_space<hbm>>
        tpu.enqueue_dma source(%dma_start3A_360 : memref<128x128xf32, #tpu.memory_space<hbm>>) target(%arg17 : memref<128x128xf32, #tpu.memory_space<vmem>>) target_semaphore(%arg30 : memref<!tpu.dma_semaphore, #tpu.memory_space<semaphore_mem>>)
      } else {
      }
    }
    %scan3A_120 = arith.constant 6 : i32
    %dma_wait3A_121 = arith.constant 20 : i32
    %dma_wait3A_122 = arith.constant 0 : i32
    %dma_wait3A_123 = tpu.memref_slice %arg11[%dma_wait3A_121, %dma_wait3A_122] : memref<24x128xi32, #tpu.memory_space<vmem>> -> memref<1x128xi32, #tpu.memory_space<vmem>>
    %dma_wait3A_124 = tpu.memref_squeeze %dma_wait3A_123 : memref<1x128xi32, #tpu.memory_space<vmem>> -> memref<128xi32, #tpu.memory_space<vmem>>
    %dma_wait3A_125 = arith.constant 0 : i32
    %dma_wait3A_126 = arith.constant 0 : i32
    %dma_wait3A_127 = tpu.memref_slice %arg22[%dma_wait3A_125, %dma_wait3A_126] : memref<1024x128xf32, #tpu.memory_space<vmem_shared>> -> memref<1024x128xf32, #tpu.memory_space<vmem_shared>>
    tpu.wait_indirect_dma semaphore(%arg31 : memref<!tpu.dma_semaphore, #tpu.memory_space<semaphore_mem>>) src(%arg14 : memref<128x128xf32, #tpu.memory_space<vmem>>) dst(%dma_wait3A_127 : memref<1024x128xf32, #tpu.memory_space<vmem_shared>>)
    %dma_wait3A_128 = arith.constant 21 : i32
    %dma_wait3A_129 = arith.constant 0 : i32
    %dma_wait3A_130 = tpu.memref_slice %arg11[%dma_wait3A_128, %dma_wait3A_129] : memref<24x128xi32, #tpu.memory_space<vmem>> -> memref<1x128xi32, #tpu.memory_space<vmem>>
    %dma_wait3A_131 = tpu.memref_squeeze %dma_wait3A_130 : memref<1x128xi32, #tpu.memory_space<vmem>> -> memref<128xi32, #tpu.memory_space<vmem>>
    %dma_wait3A_132 = arith.constant 0 : i32
    %dma_wait3A_133 = arith.constant 0 : i32
    %dma_wait3A_134 = tpu.memref_slice %arg22[%dma_wait3A_132, %dma_wait3A_133] : memref<1024x128xf32, #tpu.memory_space<vmem_shared>> -> memref<1024x128xf32, #tpu.memory_space<vmem_shared>>
    tpu.wait_indirect_dma semaphore(%arg32 : memref<!tpu.dma_semaphore, #tpu.memory_space<semaphore_mem>>) src(%arg15 : memref<128x128xf32, #tpu.memory_space<vmem>>) dst(%dma_wait3A_134 : memref<1024x128xf32, #tpu.memory_space<vmem_shared>>)
    %dma_wait3A_135 = arith.constant 22 : i32
    %dma_wait3A_136 = arith.constant 0 : i32
    %dma_wait3A_137 = tpu.memref_slice %arg11[%dma_wait3A_135, %dma_wait3A_136] : memref<24x128xi32, #tpu.memory_space<vmem>> -> memref<1x128xi32, #tpu.memory_space<vmem>>
    %dma_wait3A_138 = tpu.memref_squeeze %dma_wait3A_137 : memref<1x128xi32, #tpu.memory_space<vmem>> -> memref<128xi32, #tpu.memory_space<vmem>>
    %dma_wait3A_139 = arith.constant 0 : i32
    %dma_wait3A_140 = arith.constant 0 : i32
    %dma_wait3A_141 = tpu.memref_slice %arg22[%dma_wait3A_139, %dma_wait3A_140] : memref<1024x128xf32, #tpu.memory_space<vmem_shared>> -> memref<1024x128xf32, #tpu.memory_space<vmem_shared>>
    tpu.wait_indirect_dma semaphore(%arg33 : memref<!tpu.dma_semaphore, #tpu.memory_space<semaphore_mem>>) src(%arg16 : memref<128x128xf32, #tpu.memory_space<vmem>>) dst(%dma_wait3A_141 : memref<1024x128xf32, #tpu.memory_space<vmem_shared>>)
    %dma_wait3A_142 = arith.constant 23 : i32
    %dma_wait3A_143 = arith.constant 0 : i32
    %dma_wait3A_144 = tpu.memref_slice %arg11[%dma_wait3A_142, %dma_wait3A_143] : memref<24x128xi32, #tpu.memory_space<vmem>> -> memref<1x128xi32, #tpu.memory_space<vmem>>
    %dma_wait3A_145 = tpu.memref_squeeze %dma_wait3A_144 : memref<1x128xi32, #tpu.memory_space<vmem>> -> memref<128xi32, #tpu.memory_space<vmem>>
    %dma_wait3A_146 = arith.constant 0 : i32
    %dma_wait3A_147 = arith.constant 0 : i32
    %dma_wait3A_148 = tpu.memref_slice %arg22[%dma_wait3A_146, %dma_wait3A_147] : memref<1024x128xf32, #tpu.memory_space<vmem_shared>> -> memref<1024x128xf32, #tpu.memory_space<vmem_shared>>
    tpu.wait_indirect_dma semaphore(%arg34 : memref<!tpu.dma_semaphore, #tpu.memory_space<semaphore_mem>>) src(%arg17 : memref<128x128xf32, #tpu.memory_space<vmem>>) dst(%dma_wait3A_148 : memref<1024x128xf32, #tpu.memory_space<vmem_shared>>)
    %lt3A_149 = arith.constant 13 : i32
    %lt3A_150 = arith.cmpi slt, %add3A, %lt3A_149 : i32
    %convert_element_type3A_151 = arith.extui %lt3A_150 : i1 to i32
    %cond3A_152 = arith.constant 0 : i32
    %cond3A_153 = arith.cmpi ne, %convert_element_type3A_151, %cond3A_152 : i32
    scf.if %cond3A_153 {
      %dma_wait3A_188 = arith.constant 0 : i32
      %dma_wait3A_189 = arith.constant 0 : i32
      %dma_wait3A_190 = tpu.memref_slice %arg12[%dma_wait3A_188, %dma_wait3A_189] : memref<1x128xi32, #tpu.memory_space<vmem>> -> memref<1x128xi32, #tpu.memory_space<vmem>>
      %dma_wait3A_191 = tpu.memref_squeeze %dma_wait3A_190 : memref<1x128xi32, #tpu.memory_space<vmem>> -> memref<128xi32, #tpu.memory_space<vmem>>
      %dma_wait3A_192 = arith.constant 0 : i32
      %dma_wait3A_193 = arith.constant 0 : i32
      %dma_wait3A_194 = tpu.memref_slice %arg22[%dma_wait3A_192, %dma_wait3A_193] : memref<1024x128xf32, #tpu.memory_space<vmem_shared>> -> memref<1024x128xf32, #tpu.memory_space<vmem_shared>>
      tpu.wait_indirect_dma semaphore(%arg36 : memref<!tpu.dma_semaphore, #tpu.memory_space<semaphore_mem>>) src(%arg18 : memref<128x128xf32, #tpu.memory_space<vmem>>) dst(%dma_wait3A_194 : memref<1024x128xf32, #tpu.memory_space<vmem_shared>>)
      %dma_wait3A_195 = arith.constant 0 : i32
      %dma_wait3A_196 = arith.constant 0 : i32
      %dma_wait3A_197 = tpu.memref_slice %arg12[%dma_wait3A_195, %dma_wait3A_196] : memref<1x128xi32, #tpu.memory_space<vmem>> -> memref<1x128xi32, #tpu.memory_space<vmem>>
      %dma_wait3A_198 = tpu.memref_squeeze %dma_wait3A_197 : memref<1x128xi32, #tpu.memory_space<vmem>> -> memref<128xi32, #tpu.memory_space<vmem>>
      %dma_wait3A_199 = arith.constant 0 : i32
      %dma_wait3A_200 = arith.constant 0 : i32
      %dma_wait3A_201 = tpu.memref_slice %arg23[%dma_wait3A_199, %dma_wait3A_200] : memref<1024x16xf32, #tpu.memory_space<vmem_shared>> -> memref<1024x16xf32, #tpu.memory_space<vmem_shared>>
      tpu.wait_indirect_dma semaphore(%arg35 : memref<!tpu.dma_semaphore, #tpu.memory_space<semaphore_mem>>) src(%arg19 : memref<128x16xf32, #tpu.memory_space<vmem>>) dst(%dma_wait3A_201 : memref<1024x16xf32, #tpu.memory_space<vmem_shared>>)
    } else {
    }
    %eq3A_154 = arith.constant 13 : i32
    %eq3A_155 = arith.cmpi eq, %add3A, %eq3A_154 : i32
    %convert_element_type3A_156 = arith.extui %eq3A_155 : i1 to i32
    %cond3A_157 = arith.constant 0 : i32
    %cond3A_158 = arith.cmpi ne, %convert_element_type3A_156, %cond3A_157 : i32
    scf.if %cond3A_158 {
      %dma_wait3A_188 = arith.constant 0 : i32
      %dma_wait3A_189 = arith.constant 0 : i32
      %dma_wait3A_190 = arith.constant 0 : i32
      %dma_wait3A_191 = tpu.memref_slice %arg18[%dma_wait3A_189, %dma_wait3A_190] : memref<128x128xf32, #tpu.memory_space<vmem>> -> memref<32x128xf32, #tpu.memory_space<vmem>>
      %dma_wait3A_192 = arith.constant 0 : i32
      %dma_wait3A_193 = tpu.memref_slice %arg13[%dma_wait3A_188, %dma_wait3A_192] : memref<1x32xi32, #tpu.memory_space<vmem>> -> memref<1x32xi32, #tpu.memory_space<vmem>>
      %dma_wait3A_194 = tpu.memref_squeeze %dma_wait3A_193 : memref<1x32xi32, #tpu.memory_space<vmem>> -> memref<32xi32, #tpu.memory_space<vmem>>
      %dma_wait3A_195 = arith.constant 0 : i32
      %dma_wait3A_196 = arith.constant 0 : i32
      %dma_wait3A_197 = tpu.memref_slice %arg22[%dma_wait3A_195, %dma_wait3A_196] : memref<1024x128xf32, #tpu.memory_space<vmem_shared>> -> memref<1024x128xf32, #tpu.memory_space<vmem_shared>>
      tpu.wait_indirect_dma semaphore(%arg36 : memref<!tpu.dma_semaphore, #tpu.memory_space<semaphore_mem>>) src(%dma_wait3A_191 : memref<32x128xf32, #tpu.memory_space<vmem>>) dst(%dma_wait3A_197 : memref<1024x128xf32, #tpu.memory_space<vmem_shared>>)
      %dma_wait3A_198 = arith.constant 0 : i32
      %dma_wait3A_199 = arith.constant 0 : i32
      %dma_wait3A_200 = arith.constant 0 : i32
      %dma_wait3A_201 = tpu.memref_slice %arg19[%dma_wait3A_199, %dma_wait3A_200] : memref<128x16xf32, #tpu.memory_space<vmem>> -> memref<32x16xf32, #tpu.memory_space<vmem>>
      %dma_wait3A_202 = arith.constant 0 : i32
      %dma_wait3A_203 = tpu.memref_slice %arg13[%dma_wait3A_198, %dma_wait3A_202] : memref<1x32xi32, #tpu.memory_space<vmem>> -> memref<1x32xi32, #tpu.memory_space<vmem>>
      %dma_wait3A_204 = tpu.memref_squeeze %dma_wait3A_203 : memref<1x32xi32, #tpu.memory_space<vmem>> -> memref<32xi32, #tpu.memory_space<vmem>>
      %dma_wait3A_205 = arith.constant 0 : i32
      %dma_wait3A_206 = arith.constant 0 : i32
      %dma_wait3A_207 = tpu.memref_slice %arg23[%dma_wait3A_205, %dma_wait3A_206] : memref<1024x16xf32, #tpu.memory_space<vmem_shared>> -> memref<1024x16xf32, #tpu.memory_space<vmem_shared>>
      tpu.wait_indirect_dma semaphore(%arg35 : memref<!tpu.dma_semaphore, #tpu.memory_space<semaphore_mem>>) src(%dma_wait3A_201 : memref<32x16xf32, #tpu.memory_space<vmem>>) dst(%dma_wait3A_207 : memref<1024x16xf32, #tpu.memory_space<vmem_shared>>)
    } else {
    }
    %scan3A_159 = arith.constant 0 : i32
    %scan3A_160 = arith.constant 0 : i32
    %scan3A_161 = arith.constant 24 : i32
    %scan3A_162 = arith.addi %scan3A_160, %scan3A_161 : i32
    %scan3A_163 = arith.constant 1 : i32
    scf.for %scan3A_188 = %scan3A_160 to %scan3A_162 step %scan3A_163  : i32 {
      %dma_wait3A_189 = arith.constant 0 : i32
      %dma_wait3A_190 = tpu.memref_slice %arg11[%scan3A_188, %dma_wait3A_189] : memref<24x128xi32, #tpu.memory_space<vmem>> -> memref<1x128xi32, #tpu.memory_space<vmem>>
      %dma_wait3A_191 = tpu.memref_squeeze %dma_wait3A_190 : memref<1x128xi32, #tpu.memory_space<vmem>> -> memref<128xi32, #tpu.memory_space<vmem>>
      %dma_wait3A_192 = arith.constant 0 : i32
      %dma_wait3A_193 = arith.constant 0 : i32
      %dma_wait3A_194 = tpu.memref_slice %arg23[%dma_wait3A_192, %dma_wait3A_193] : memref<1024x16xf32, #tpu.memory_space<vmem_shared>> -> memref<1024x16xf32, #tpu.memory_space<vmem_shared>>
      tpu.wait_indirect_dma semaphore(%arg35 : memref<!tpu.dma_semaphore, #tpu.memory_space<semaphore_mem>>) src(%arg19 : memref<128x16xf32, #tpu.memory_space<vmem>>) dst(%dma_wait3A_194 : memref<1024x16xf32, #tpu.memory_space<vmem_shared>>)
    }
    %scan3A_164 = arith.constant 24 : i32
    %barrier3A_165 = arith.constant 0 : index
    tpu.barrier barrier_id(%barrier3A_165)
    %dma_start3A_166 = arith.constant 0 : i32
    %dma_start3A_167 = tpu.memref_slice %arg8[%arg0, %mul3A_2, %dma_start3A_166] : memref<2x1024x128xf32, #tpu.memory_space<hbm>> -> memref<1x64x128xf32, #tpu.memory_space<hbm>>
    %dma_start3A_168 = tpu.memref_squeeze %dma_start3A_167 : memref<1x64x128xf32, #tpu.memory_space<hbm>> -> memref<64x128xf32, #tpu.memory_space<hbm>>
    %dma_start3A_169 = arith.constant 0 : i32
    %dma_start3A_170 = tpu.memref_slice %arg22[%mul3A_2, %dma_start3A_169] : memref<1024x128xf32, #tpu.memory_space<vmem_shared>> -> memref<64x128xf32, #tpu.memory_space<vmem_shared>>
    tpu.enqueue_dma source(%dma_start3A_170 : memref<64x128xf32, #tpu.memory_space<vmem_shared>>) target(%dma_start3A_168 : memref<64x128xf32, #tpu.memory_space<hbm>>) target_semaphore(%arg38 : memref<!tpu.dma_semaphore, #tpu.memory_space<semaphore_mem>>)
    %dma_start3A_171 = arith.constant 0 : i32
    %dma_start3A_172 = tpu.memref_slice %arg9[%arg0, %mul3A_2, %dma_start3A_171] : memref<2x1024x16xf32, #tpu.memory_space<hbm>> -> memref<1x64x16xf32, #tpu.memory_space<hbm>>
    %dma_start3A_173 = tpu.memref_squeeze %dma_start3A_172 : memref<1x64x16xf32, #tpu.memory_space<hbm>> -> memref<64x16xf32, #tpu.memory_space<hbm>>
    %dma_start3A_174 = arith.constant 0 : i32
    %dma_start3A_175 = tpu.memref_slice %arg23[%mul3A_2, %dma_start3A_174] : memref<1024x16xf32, #tpu.memory_space<vmem_shared>> -> memref<64x16xf32, #tpu.memory_space<vmem_shared>>
    tpu.enqueue_dma source(%dma_start3A_175 : memref<64x16xf32, #tpu.memory_space<vmem_shared>>) target(%dma_start3A_173 : memref<64x16xf32, #tpu.memory_space<hbm>>) target_semaphore(%arg38 : memref<!tpu.dma_semaphore, #tpu.memory_space<semaphore_mem>>)
    %dma_wait3A_176 = arith.constant 0 : i32
    %dma_wait3A_177 = tpu.memref_slice %arg8[%arg0, %mul3A_2, %dma_wait3A_176] : memref<2x1024x128xf32, #tpu.memory_space<hbm>> -> memref<1x64x128xf32, #tpu.memory_space<hbm>>
    %dma_wait3A_178 = tpu.memref_squeeze %dma_wait3A_177 : memref<1x64x128xf32, #tpu.memory_space<hbm>> -> memref<64x128xf32, #tpu.memory_space<hbm>>
    %dma_wait3A_179 = arith.constant 0 : i32
    %dma_wait3A_180 = tpu.memref_slice %arg22[%mul3A_2, %dma_wait3A_179] : memref<1024x128xf32, #tpu.memory_space<vmem_shared>> -> memref<64x128xf32, #tpu.memory_space<vmem_shared>>
    tpu.wait_dma2 semaphore(%arg38 : memref<!tpu.dma_semaphore, #tpu.memory_space<semaphore_mem>>) src(%dma_wait3A_180 : memref<64x128xf32, #tpu.memory_space<vmem_shared>>) dst(%dma_wait3A_178 : memref<64x128xf32, #tpu.memory_space<hbm>>)
    %dma_wait3A_181 = arith.constant 0 : i32
    %dma_wait3A_182 = tpu.memref_slice %arg9[%arg0, %mul3A_2, %dma_wait3A_181] : memref<2x1024x16xf32, #tpu.memory_space<hbm>> -> memref<1x64x16xf32, #tpu.memory_space<hbm>>
    %dma_wait3A_183 = tpu.memref_squeeze %dma_wait3A_182 : memref<1x64x16xf32, #tpu.memory_space<hbm>> -> memref<64x16xf32, #tpu.memory_space<hbm>>
    %dma_wait3A_184 = arith.constant 0 : i32
    %dma_wait3A_185 = tpu.memref_slice %arg23[%mul3A_2, %dma_wait3A_184] : memref<1024x16xf32, #tpu.memory_space<vmem_shared>> -> memref<64x16xf32, #tpu.memory_space<vmem_shared>>
    tpu.wait_dma2 semaphore(%arg38 : memref<!tpu.dma_semaphore, #tpu.memory_space<semaphore_mem>>) src(%dma_wait3A_185 : memref<64x16xf32, #tpu.memory_space<vmem_shared>>) dst(%dma_wait3A_183 : memref<64x16xf32, #tpu.memory_space<hbm>>)
    %dma_wait3A_186 = tpu.memref_slice %arg10[%multiple_of3A] : memref<1024xi32, #tpu.memory_space<hbm>> -> memref<32xi32, #tpu.memory_space<hbm>>
    %dma_wait3A_187 = tpu.memref_slice %arg10[%multiple_of3A] : memref<1024xi32, #tpu.memory_space<hbm>> -> memref<32xi32, #tpu.memory_space<hbm>>
    tpu.wait_dma2 semaphore(%arg24 : memref<!tpu.dma_semaphore, #tpu.memory_space<semaphore_mem>>) src(%arg21 : memref<32xi32, #tpu.memory_space<vmem>>) dst(%dma_wait3A_187 : memref<32xi32, #tpu.memory_space<hbm>>)
    return
  }
}

module attributes {stable_mosaic.version = 14 : i64} {
  func.func @_tc_body(%arg0: memref<1024x128xf32, #tpu.memory_space<vmem>>, %arg1: memref<2x1024x128xf32, #tpu.memory_space<vmem>>, %arg2: memref<2x1024x16xf32, #tpu.memory_space<vmem>>, %arg3: memref<1024xi32, #tpu.memory_space<vmem>>, %arg4: memref<1xf32, #tpu.memory_space<smem>>) attributes {dimension_semantics = [], scalar_prefetch = 0 : i64, scratch_operands = 0 : i64, tpu.core_type = #tpu.core_type<tc>} {
    %get3A = arith.constant 0 : index
    %get3A_0 = arith.constant 0 : index
    %get3A_1 = arith.constant 0 : index
    %get3A_2 = vector.load %arg1[%get3A, %get3A_0, %get3A_1] : memref<2x1024x128xf32, #tpu.memory_space<vmem>>, vector<1x1024x128xf32>
    %get3A_3 = vector.shape_cast %get3A_2 : vector<1x1024x128xf32> to vector<1024x128xf32>
    %get3A_4 = arith.constant 1 : index
    %get3A_5 = arith.constant 0 : index
    %get3A_6 = arith.constant 0 : index
    %get3A_7 = vector.load %arg1[%get3A_4, %get3A_5, %get3A_6] : memref<2x1024x128xf32, #tpu.memory_space<vmem>>, vector<1x1024x128xf32>
    %get3A_8 = vector.shape_cast %get3A_7 : vector<1x1024x128xf32> to vector<1024x128xf32>
    %add3A = arith.addf %get3A_3, %get3A_8 : vector<1024x128xf32>
    %get3A_9 = arith.constant 0 : index
    %get3A_10 = arith.constant 0 : index
    %get3A_11 = arith.constant 0 : index
    %get3A_12 = vector.load %arg2[%get3A_9, %get3A_10, %get3A_11] : memref<2x1024x16xf32, #tpu.memory_space<vmem>>, vector<1x1024x16xf32>
    %get3A_13 = vector.shape_cast %get3A_12 : vector<1x1024x16xf32> to vector<1024x16xf32>
    %get3A_14 = arith.constant 1 : index
    %get3A_15 = arith.constant 0 : index
    %get3A_16 = arith.constant 0 : index
    %get3A_17 = vector.load %arg2[%get3A_14, %get3A_15, %get3A_16] : memref<2x1024x16xf32, #tpu.memory_space<vmem>>, vector<1x1024x16xf32>
    %get3A_18 = vector.shape_cast %get3A_17 : vector<1x1024x16xf32> to vector<1024x16xf32>
    %add3A_19 = arith.addf %get3A_13, %get3A_18 : vector<1024x16xf32>
    %get3A_20 = arith.constant 0 : index
    %get3A_21 = arith.constant 0 : index
    %get3A_22 = vector.load %arg0[%get3A_20, %get3A_21] : memref<1024x128xf32, #tpu.memory_space<vmem>>, vector<1024x128xf32>
    %dot_general3A = arith.constant dense<0.000000e+00> : vector<1024x1024xf32>
    %dot_general3A_23 = tpu.matmul %get3A_22, %add3A, %dot_general3A {dimension_numbers = #tpu.dot_dimension_numbers<[1], [1], [0], [0], [0, 0, 1, 0], [], []>, transpose_lhs_hint = false} : vector<1024x128xf32>, vector<1024x128xf32>, vector<1024x1024xf32> -> vector<1024x1024xf32>
    %broadcast_in_dim3A = arith.constant 6.250000e-02 : f32
    %broadcast_in_dim3A_24 = vector.broadcast %broadcast_in_dim3A : f32 to vector<1x16xf32>
    %dot_general3A_25 = arith.constant dense<0.000000e+00> : vector<1x1024xf32>
    %dot_general3A_26 = tpu.matmul %broadcast_in_dim3A_24, %add3A_19, %dot_general3A_25 {dimension_numbers = #tpu.dot_dimension_numbers<[1], [1], [0], [0], [0, 0, 1, 0], [], []>, transpose_lhs_hint = false} : vector<1x16xf32>, vector<1024x16xf32>, vector<1x1024xf32> -> vector<1x1024xf32>
    %iota3A = tpu.iota {dimensions = array<i32: 1>} : vector<1x1024xi32>
    %gt3A = arith.constant 0.000000e+00 : f32
    %gt3A_27 = vector.broadcast %gt3A : f32 to vector<1x1024xf32>
    %gt3A_28 = arith.cmpf ogt, %dot_general3A_26, %gt3A_27 : vector<1x1024xf32>
    %lt3A = arith.constant 1000 : i32
    %lt3A_29 = vector.broadcast %lt3A : i32 to vector<1x1024xi32>
    %lt3A_30 = arith.cmpi slt, %iota3A, %lt3A_29 : vector<1x1024xi32>
    %and3A = arith.andi %gt3A_28, %lt3A_30 : vector<1x1024xi1>
    %convert_element_type3A = arith.extui %and3A : vector<1x1024xi1> to vector<1x1024xi32>
    %convert_element_type3A_31 = arith.sitofp %convert_element_type3A : vector<1x1024xi32> to vector<1x1024xf32>
    %mul3A = arith.constant 2.000000e+01 : f32
    %mul3A_32 = vector.broadcast %mul3A : f32 to vector<1024x1024xf32>
    %mul3A_33 = arith.mulf %dot_general3A_23, %mul3A_32 : vector<1024x1024xf32>
    %gt3A_34 = arith.constant 0.000000e+00 : f32
    %gt3A_35 = vector.broadcast %gt3A_34 : f32 to vector<1x1024xf32>
    %gt3A_36 = arith.cmpf ogt, %dot_general3A_26, %gt3A_35 : vector<1x1024xf32>
    %jit3A = arith.constant 1.000000e+00 : f32
    %broadcast_in_dim3A_37 = vector.broadcast %jit3A : f32 to vector<1x1024xf32>
    %select_n3A = arith.select %gt3A_36, %dot_general3A_26, %broadcast_in_dim3A_37 : vector<1x1024xi1>, vector<1x1024xf32>
    %div3A = vector.broadcast %select_n3A : vector<1x1024xf32> to vector<1024x1024xf32>
    %div3A_38 = arith.divf %mul3A_33, %div3A : vector<1024x1024xf32>
    %exp3A = math.exp %div3A_38 : vector<1024x1024xf32>
    %mul3A_39 = vector.broadcast %convert_element_type3A_31 : vector<1x1024xf32> to vector<1024x1024xf32>
    %mul3A_40 = arith.mulf %exp3A, %mul3A_39 : vector<1024x1024xf32>
    %reduce_sum3A = arith.constant dense<0.000000e+00> : vector<1024xf32>
    %reduce_sum3A_41 = vector.multi_reduction <add>, %mul3A_40, %reduce_sum3A [1] : vector<1024x1024xf32> to vector<1024xf32>
    %broadcast_in_dim3A_42 = vector.shape_cast %reduce_sum3A_41 : vector<1024xf32> to vector<1024x1xf32>
    %add3A_43 = arith.constant 9.99999997E-7 : f32
    %add3A_44 = vector.broadcast %add3A_43 : f32 to vector<1024x1xf32>
    %add3A_45 = arith.addf %broadcast_in_dim3A_42, %add3A_44 : vector<1024x1xf32>
    %iota3A_46 = tpu.iota {dimensions = array<i32: 1>} : vector<1024x1024xi32>
    %get3A_47 = arith.constant 0 : index
    %get3A_48 = vector.load %arg3[%get3A_47] : memref<1024xi32, #tpu.memory_space<vmem>>, vector<1024xi32>
    %reshape3A = vector.shape_cast %get3A_48 : vector<1024xi32> to vector<1024x1xi32>
    %eq3A = vector.broadcast %reshape3A : vector<1024x1xi32> to vector<1024x1024xi32>
    %eq3A_49 = arith.cmpi eq, %iota3A_46, %eq3A : vector<1024x1024xi32>
    %convert_element_type3A_50 = arith.extui %eq3A_49 : vector<1024x1024xi1> to vector<1024x1024xi32>
    %convert_element_type3A_51 = arith.sitofp %convert_element_type3A_50 : vector<1024x1024xi32> to vector<1024x1024xf32>
    %mul3A_52 = arith.mulf %mul3A_40, %convert_element_type3A_51 : vector<1024x1024xf32>
    %reduce_sum3A_53 = arith.constant dense<0.000000e+00> : vector<1024xf32>
    %reduce_sum3A_54 = vector.multi_reduction <add>, %mul3A_52, %reduce_sum3A_53 [1] : vector<1024x1024xf32> to vector<1024xf32>
    %broadcast_in_dim3A_55 = vector.shape_cast %reduce_sum3A_54 : vector<1024xf32> to vector<1024x1xf32>
    %div3A_56 = arith.divf %broadcast_in_dim3A_55, %add3A_45 : vector<1024x1xf32>
    %add3A_57 = arith.constant 9.99999997E-7 : f32
    %add3A_58 = vector.broadcast %add3A_57 : f32 to vector<1024x1xf32>
    %add3A_59 = arith.addf %div3A_56, %add3A_58 : vector<1024x1xf32>
    %log3A = math.log %add3A_59 : vector<1024x1xf32>
    %sub3A = arith.constant 1.000000e+00 : f32
    %sub3A_60 = vector.broadcast %sub3A : f32 to vector<1024x1xf32>
    %sub3A_61 = arith.subf %sub3A_60, %div3A_56 : vector<1024x1xf32>
    %integer_pow3A = arith.mulf %sub3A_61, %sub3A_61 : vector<1024x1xf32>
    %integer_pow3A_62 = arith.mulf %integer_pow3A, %integer_pow3A : vector<1024x1xf32>
    %add3A_63 = arith.constant 1.000000e+00 : f32
    %add3A_64 = vector.broadcast %add3A_63 : f32 to vector<1024x1xf32>
    %add3A_65 = arith.addf %add3A_64, %integer_pow3A_62 : vector<1024x1xf32>
    %neg3A = arith.constant 0.000000e+00 : f32
    %neg3A_66 = vector.broadcast %neg3A : f32 to vector<1024x1xf32>
    %neg3A_67 = arith.subf %neg3A_66, %add3A_65 : vector<1024x1xf32>
    %mul3A_68 = arith.mulf %neg3A_67, %log3A : vector<1024x1xf32>
    %reduce_sum3A_69 = vector.shape_cast %mul3A_68 : vector<1024x1xf32> to vector<1x1024x1xf32>
    %reduce_sum3A_70 = arith.constant dense<0.000000e+00> : vector<1xf32>
    %reduce_sum3A_71 = vector.multi_reduction <add>, %reduce_sum3A_69, %reduce_sum3A_70 [1, 2] : vector<1x1024x1xf32> to vector<1xf32>
    %reduce_sum3A_72 = vector.shape_cast %reduce_sum3A_71 : vector<1xf32> to vector<1x1x1xf32>
    %reduce_sum3A_73 = vector.extract %reduce_sum3A_72[0, 0, 0] : f32 from vector<1x1x1xf32>
    %mul3A_74 = arith.constant 9.765625E-4 : f32
    %mul3A_75 = arith.mulf %reduce_sum3A_73, %mul3A_74 : f32
    %swap3A = arith.constant 0 : index
    %swap3A_76 = memref.load %arg4[%swap3A] : memref<1xf32, #tpu.memory_space<smem>>
    memref.store %mul3A_75, %arg4[%swap3A] : memref<1xf32, #tpu.memory_space<smem>>
    return
  }
}

</mosaic_0001>

<sc_bundles>
// kernel: kernel.4.cloned.1.call-start
scs
__scs_entry_jumppad:
0x0: {  	(pc) =	sbr.rel $0x88, $3  }
0x1: {  	(tag) =	ssettag $0x0;
	lr =	simm.s32 $0x1  }
0x2: {  	[smem:$0x3F9D] =	sst lr;
	_ =	strace $0xD0000000  }
0x3: {  	_ = 	snop  }
0x4: {  	_ = 	snop  }
0x5: {  	_ = 	snop  }
0x6: {  	_ = 	snop  }
0x7: {  	_ = 	snop  }
__scs_overlays_trampoline_lowered:
0x8: {  	[smem:$0x3FAC] =	sst s0  }
0x9: {  	[smem:$0x3FAD] =	sst s1  }
0xa: {  	[smem:$0x3FAE] =	sst s2  }
0xb: {  	[smem:$0x3FAF] =	sst s3  }
0xc: {  	[smem:$0x3FB0] =	sst s4  }
0xd: {  	[smem:$0x3FB1] =	sst s5  }
0xe: {  	[smem:$0x3FB2] =	sst s6  }
0xf: {  	[smem:$0x3FB3] =	sst s7  }
0x10: {  	[smem:$0x3FB4] =	sst s8  }
0x11: {  	[smem:$0x3FB5] =	sst s9;
	s0 =	simm.s32 @!p0 $0x0  }
0x12: {  	s1 =	sld [smem:$0x3F9B];
	s0 =	simm.s32 @p0 $0x1  }
0x13: {  	[smem:$0x3FB6] =	sst s0;
	s0 =	simm.s32 @!p1 $0x0  }
0x14: {  	s2 =	sld [smem:$0x3F9A];
	s0 =	simm.s32 @p1 $0x1  }
0x15: {  	[smem:$0x3FB7] =	sst s0;
	s0 =	simm.s32 @!p2 $0x0  }
0x16: {  	s3 =	sld [smem:$0x3FDB];
	s0 =	simm.s32 @p2 $0x1  }
0x17: {  	s4 =	simm.s32 $0x1BF5;
	[smem:$0x3FB9] =	sst s0  }
0x18: {  	s0 =	sld [smem:$0x3F9C];
	_ =	swait.ge [sflag:s4], $0x0  }
0x19: {  	s7 =	sld [smem:$0x3F9D]  }
0x1a: {  	s8 =	sadd.s32 $0xFFFFE003, lr  }
0x1b: {  	s9 =	sadd.s32 $0xFFFFFEF7, lr;
	s5 =	simm.s32 $0xFFFFFFFF;
	p2 =	slt.u32 s8, $0xFFFFF086  }
0x1c: {  	p1 =	slt.u32 s9, $0xF7A;
	s5 =	simm.s32 @!p2 $0x0  }
0x1d: {  	s5 =	simm.s32 @p1 $0x1;
	p0 =	seq.s32 s7, s2  }
0x1e: {  	s7 =	smul.u32 @!p0 $0xF7A, s2;
	p2 =	seq.s32 @!p0 s5, $0x0  }
0x1f: {  	s9 =	smul.u32 $0xF7A, s1;
	s8 =	simm.s32 @!p0 $0x1BF5;
	p2 =	por !p2, p0  }
0x20: {  	[sflag:s8] =	ssyncset.s32 @!p0 $0xFFFFF086;
	s6 =	sadd.s32 @!p0 s3, s7;
	s7 =	simm.s32 @!p0 $0x108  }
0x21: {  	s3 =	sadd.s32 s3, s9;
	s6 =	sadd.s32 @!p0 $0x88, s6;
	s7 =	simm.s32 @p2 $0x1082  }
0x22: {  	[simem:s7], [sflag:s8] =	dma.local @!p0 [hbm:s6], $0xF7A  }
0x23: {  	s9 =	sor.u32 $0xD0000000, s2;
	s6 =	simm.s32 $0x108;
	_ =	swait.ge @!p0 [sflag:s8], $0x0  }
0x24: {  	s3 =	sadd.s32 $0x88, s3;
	s6 =	simm.s32 @!p1 $0x1082;
	[sflag:s4] =	ssyncset.s32 $0xFFFFF086  }
0x25: {  	[simem:s6], [sflag:s4] =	dma.local [hbm:s3], $0xF7A  }
0x26: {  	[smem:$0x3F9D] =	sst s1;
	(tag) =	ssettag s2;
	_ =	strace s9  }
0x27: {  	s1 =	sld [smem:$0x3FAD]  }
0x28: {  	s2 =	sld [smem:$0x3FAE]  }
0x29: {  	s4 =	sld [smem:$0x3FB0]  }
0x2a: {  	p0 =	seq.s32 s5, $0x0;
	s5 =	sld [smem:$0x3FB1]  }
0x2b: {  	s6 =	sld [smem:$0x3FB2]  }
0x2c: {  	s7 =	sld [smem:$0x3FB3]  }
0x2d: {  	s3 =	simm.s32 $0x108;
	s8 =	sld [smem:$0x3FB4]  }
0x2e: {  	s3 =	simm.s32 @!p0 $0x1082;
	s9 =	sld [smem:$0x3FB5]  }
0x2f: {  	lr =	sadd.s32 s0, s3;
	s0 =	sld [smem:$0x3FAC]  }
0x30: {  	s3 =	sld [smem:$0x3FAF]  }
0x31: {  	[smem:$0x3FB8] =	sst s10  }
0x32: {  	s10 =	sld [smem:$0x3FB6];
	_ =	sdelay $0x3  }
0x33: {  	p0 =	seq.s32 s10, $0x1;
	s10 =	sld [smem:$0x3FB8];
	_ =	sdelay $0x3  }
0x34: {  	[smem:$0x3FB8] =	sst s10  }
0x35: {  	s10 =	sld [smem:$0x3FB7];
	_ =	sdelay $0x3  }
0x36: {  	p1 =	seq.s32 s10, $0x1;
	s10 =	sld [smem:$0x3FB8];
	_ =	sdelay $0x3  }
0x37: {  	[smem:$0x3FB8] =	sst s10  }
0x38: {  	s10 =	sld [smem:$0x3FB9]  }
0x39: {  	_ = 	snop;
	(pc) =	sbr.ind lr, $3  }
0x3a: {  	_ = 	snop  }
0x3b: {  	_ = 	snop  }
0x3c: {  	p2 =	seq.s32 s10, $0x1;
	s10 =	sld [smem:$0x3FB8]  }
0x3d: {  	_ =	shalt  }
0x3e: {  	_ =	shalt  }
0x3f: {  	_ =	shalt  }
0x40: {  	_ =	shalt  }
0x41: {  	_ =	shalt  }
0x42: {  	_ =	shalt  }
0x43: {  	_ =	shalt  }
0x44: {  	_ =	shalt  }
0x45: {  	_ =	shalt  }
0x46: {  	_ =	shalt  }
0x47: {  	_ =	shalt  }
0x48: {  	_ =	shalt  }
0x49: {  	_ =	shalt  }
0x4a: {  	_ =	shalt  }
0x4b: {  	_ =	shalt  }
0x4c: {  	_ =	shalt  }
0x4d: {  	_ =	shalt  }
0x4e: {  	_ =	shalt  }
0x4f: {  	_ =	shalt  }
0x50: {  	_ =	shalt  }
0x51: {  	_ =	shalt  }
0x52: {  	_ =	shalt  }
0x53: {  	_ =	shalt  }
0x54: {  	_ =	shalt  }
0x55: {  	_ =	shalt  }
0x56: {  	_ =	shalt  }
0x57: {  	_ =	shalt  }
0x58: {  	_ =	shalt  }
0x59: {  	_ =	shalt  }
0x5a: {  	_ =	shalt  }
0x5b: {  	_ =	shalt  }
0x5c: {  	_ =	shalt  }
0x5d: {  	_ =	shalt  }
0x5e: {  	_ =	shalt  }
0x5f: {  	_ =	shalt  }
0x60: {  	_ =	shalt  }
0x61: {  	_ =	shalt  }
0x62: {  	_ =	shalt  }
0x63: {  	_ =	shalt  }
0x64: {  	_ =	shalt  }
0x65: {  	_ =	shalt  }
0x66: {  	_ =	shalt  }
0x67: {  	_ =	shalt  }
0x68: {  	_ =	shalt  }
0x69: {  	_ =	shalt  }
0x6a: {  	_ =	shalt  }
0x6b: {  	_ =	shalt  }
0x6c: {  	_ =	shalt  }
0x6d: {  	_ =	shalt  }
0x6e: {  	_ =	shalt  }
0x6f: {  	_ =	shalt  }
0x70: {  	_ =	shalt  }
0x71: {  	_ =	shalt  }
0x72: {  	_ =	shalt  }
0x73: {  	_ =	shalt  }
0x74: {  	_ =	shalt  }
0x75: {  	_ =	shalt  }
0x76: {  	_ =	shalt  }
0x77: {  	_ =	shalt  }
0x78: {  	_ =	shalt  }
0x79: {  	_ =	shalt  }
0x7a: {  	_ =	shalt  }
0x7b: {  	_ =	shalt  }
0x7c: {  	_ =	shalt  }
0x7d: {  	_ =	shalt  }
0x7e: {  	_ =	shalt  }
0x7f: {  	_ =	shalt  }
0x80: {  	_ =	shalt  }
0x81: {  	_ =	shalt  }
0x82: {  	_ =	shalt  }
0x83: {  	_ =	shalt  }
0x84: {  	_ =	shalt  }
0x85: {  	_ =	shalt  }
0x86: {  	_ =	shalt  }
0x87: {  	_ =	shalt  }
.Lfunc_end0:
.L_simem_size_0:
called_computation_lowered:
.L_overlay_start_0:
0x88: {  	s2 =	sld [smem:$0x3FD9]  }
0x89: {  	s3 =	sld [smem:$0x3FFE];
	_ =	sdelay $0x1  }
0x8a: {  	s1 =	srdreg.scid  }
0x8b: {  	s0 =	sand.u32 $0x1, s1  }
0x8c: {  	s17 =	sshll.u32 s0, $0xA;
	s2 =	sadd.s32 s3, s2  }
0x8d: {  	s2 =	sadd.s32 s2, s17  }
0x8e: {  	[smem:$0x3FC4] =	sst s2  }
0x8f: {  	_ = 	snop  }
0x90: {  	s2 =	sld [smem:$0x3FC8]  }
0x91: {  	s18 =	sld [smem:$0x3FC7]  }
0x92: {  	s4 =	sld [smem:$0x3FC6];
	(tm) =	ssettm $0x1  }
0x93: {  	s5 =	sld [smem:$0x3FFB];
	_ =	sdelay $0x3  }
0x94: {  	_ =	strace s5  }
0x95: {  	s5 =	sld [smem:$0x3FFC];
	_ =	sdelay $0x3  }
0x96: {  	_ =	strace s5  }
0x97: {  	s5 =	sld [smem:$0x3FFD];
	_ =	sdelay $0x3  }
0x98: {  	_ =	strace s5  }
0x99: {  	_ =	strace $0x8FFFFFFF  }
0x9a: {  	s19 =	sld [smem:$0x3FDB];
	_ =	sdelay $0x1  }
0x9b: {  	s6 =	simm.s32 $_scs_section_size  }
0x9c: {  	s7 =	simm.s32 $_size__tile_overlayer_lowered;
	s8 =	simm.s32 $_tile_overlayer_lowered  }
0x9d: {  	s22 =	simm.s32 $0x1BFF;
	s21 =	sshll.u32 s8, $0x1;
	s5 =	sadd.s32 s6, s19  }
0x9e: {  	s9 =	simm.s32 $0x0;
	s20 =	sshll.u32 s7, $0x1;
	s7 =	sadd.s32 s21, s5  }
0x9f: {  	[timem:s9], [sflag:s22] =	dma.local [hbm:s7], s20  }
0xa0: {  	_ =	swait.ge [sflag:s22], s20  }
0xa1: {  	s6 =	ssub.s32 $0x0, s20;
	[sflag:s22] =	ssyncset.done $0x0  }
0xa2: {  	[sflag:s22] =	ssyncadd.s32 s6;
	_ =	sdelay $0x1  }
0xa3: {  	s23 =	simm.s32 $0x1B8B  }
0xa4: {  	_ =	swait.ge [sflag:s23], $0x1  }
0xa5: {  	[sflag:s23] =	ssyncset.done $0x0  }
0xa6: {  	s25 =	simm.s32 $0x1B8E;
	s24 =	sld [smem:$0x3FFE];
	[sflag:s23] =	ssyncadd.s32 $0xFFFFFFFF  }
0xa7: {  	s26 =	simm.s32 $execute0_lowered;
	[smem:$0x3FD2] =	sst s25  }
0xa8: {  	s7 =	sshll.u32 s26, $0x1;
	_ =	strace $0x80000046;
	[dreg:$0x1] =	wrdreg $0xFFFFFFFF  }
0xa9: {  	s28 =	simm.s32 $_size_execute0_lowered;
	s5 =	sadd.s32 s5, s7;
	[dreg:$0x0] =	wrdreg $0x0  }
0xaa: {  	s7 =	sshll.u32 s28, $0x1;
	[dreg:$0x2] =	wrdreg s5  }
0xab: {  	[dreg:$0x3] =	wrdreg s7  }
0xac: {  	[dreg:$0x4] =	wrdreg $0xC0  }
0xad: {  	_ =	task [dreg:s9], $0x5FFFF  }
0xae: {  	[dreg:$0x1] =	wrdreg $0xFFFFFFFF  }
0xaf: {  	[dreg:$0x0] =	wrdreg $0x60  }
0xb0: {  	[dreg:$0x2] =	wrdreg s18  }
0xb1: {  	[dreg:$0x3] =	wrdreg s4  }
0xb2: {  	[dreg:$0x4] =	wrdreg s2  }
0xb3: {  	[dreg:$0x5] =	wrdreg s24  }
0xb4: {  	[dreg:$0x6] =	wrdreg $0x18E000  }
0xb5: {  	[dreg:$0x7] =	wrdreg $0x1AE000  }
0xb6: {  	[dreg:$0x8] =	wrdreg $0x9  }
0xb7: {  	_ =	task.clear_ibuf [dreg:s9], $0x9FFFF;
	_ =	strace $0x90000046  }
0xb8: {  	s29 =	simm.s32 $0x9;
	_ =	strace $0x80000048  }
0xb9: {  	_ =	swait.ge [sflag:s29], $0x1  }
0xba: {  	[sflag:s29] =	ssyncadd.s32 $0xFFFFFFFF  }
0xbb: {  	_ =	strace $0x90000048  }
0xbc: {  	_ =	sfence  }
0xbd: {  	s30 =	sld [smem:$0x0];
	_ =	sdelay $0x2  }
0xbe: {  	s31 =	sshll.u32 s1, $0xD;
	s1 =	sshrl.u32 s1, $0x2  }
0xbf: {  	s3 =	sand.u32 $0x4000, s31;
	s1 =	sadd.s32 s1, s30  }
0xc0: {  	s0 =	sor.u32 s3, s0;
	s1 =	sshll.u32 s1, $0x11  }
0xc1: {  	s0 =	sor.u32 s1, s0  }
0xc2: {  	s0 =	sadd.s32 $0x8F2B, s0  }
0xc3: {  	[sflag:s0] =	ssyncadd.remote.s32 $0x1  }
0xc4: {  	_ =	sfence.sel $0xFFFF  }
0xc5: {  	[dreg:$0x0] =	wrdreg $0xFFFFFFFF;
	(pc) =	sbr.abs _section_cstart, $3  }
0xc6: {  	[dreg:$0x1] =	wrdreg $0xFFFFFFFF  }
0xc7: {  	_ =	task.clear_ibuf [dreg:s9], $0x2FFFF;
	_ =	strace $0x9FFFFFFF  }
0xc8: {  	(tm) =	ssettm $0x7FFFFFFF  }
0xc9: {  	_ =	shalt  }
tec
execute0_lowered:
.L_overlay_start_1:
0x0: {  	(tag) =	ssettag $0x1  }
0x1: {  	s0 =	rddreg [dreg:$0x0]  }
0x2: {  	s14 =	rddreg [dreg:$0x1]  }
0x3: {  	s1 =	rddreg [dreg:$0x2]  }
0x4: {  	s3 =	rddreg [dreg:$0x3]  }
0x5: {  	s2 =	rddreg [dreg:$0x4]  }
0x6: {  	s4 =	rddreg [dreg:$0x5]  }
0x7: {  	s5 =	simm.s32 $0x0;
	s16 =	stileid.u32;
	s6 =	srdreg.scid  }
0x8: {  	s31 =	simm.s32 $0x14D00;
	s28 =	simm.s32 $0x1;
	s30 =	simm.s32 $0xB  }
0x9: {  	[smem:$0x7FF] =	sst s5;
	s7 =	sshll.u32 s16, $0xA;
	s6 =	sand.u32 $0x1, s6  }
0xa: {  	s8 =	sshll.u32 s16, $0xD;
	s10 =	sadd.s32 $0x1000, s3;
	s18 =	sshll.u32 s16, $0x6  }
0xb: {  	s26 =	smul.u32 $0x180, s16;
	_ =	strace $0x80000047;
	s7 =	sadd.s32 s7, s3  }
0xc: {  	s9 =	sshll.u32 s6, $0x11;
	[dreg:$0x7] =	wrdreg s10;
	s13 =	sshll.u32 s6, $0x4  }
0xd: {  	s15 =	ssub.s32 $0x2, s6;
	s17 =	sadd.s32 s8, s2;
	s23 =	smul.u32 $0x1800, s6  }
0xe: {  	s10 =	sor.u32 $0x1C0F, s18;
	s21 =	sadd.s32 s8, s4;
	s6 =	smul.u32 $0x180, s6  }
0xf: {  	s18 =	smul.u32 $0x18, s16;
	s9 =	sor.u32 s8, s9;
	s11 =	sor.u32 s16, s13  }
0x10: {  	s13 =	sshrl.u32 s15, $0x1;
	[dreg:$0x9] =	wrdreg s17;
	s20 =	sadd.s32 $0x5800, s7  }
0x11: {  	[dreg:$0xb] =	wrdreg s21;
	s22 =	sadd.s32 $0x1800, s7;
	s16 =	simm.s32 $0x80  }
0x12: {  	s9 =	sshrl.u32 s9, $0x3;
	s12 =	sshll.u32 s11, $0x2;
	[dreg:$0xa] =	wrdreg s20  }
0x13: {  	s13 =	ssub.s32 s15, s13;
	s19 =	smul.u32 $0xC000, s11;
	[dreg:$0xc] =	wrdreg s22  }
0x14: {  	s25 =	sshll.u32 s11, $0x7;
	p0 =	sgt.u32 s11, $0xC;
	s9 =	sadd.s32 s9, s3  }
0x15: {  	s3 =	sadd.s32 s12, s3;
	s1 =	sadd.s32 s1, s12;
	s7 =	sor.u32 $0x18000, s25  }
0x16: {  	p2 =	sne.s32 @p0 s11, $0xD;
	s11 =	simm.s32 $0xF;
	s12 =	simm.s32 $0x2  }
0x17: {  	[dreg:$0x8] =	wrdreg s1;
	s17 =	sadd.s32 s0, s19;
	s1 =	sadd.s32 s23, s14  }
0x18: {  	s29 =	sshrl.u32 s7, $0x3;
	s19 =	sadd.s32 $0x186800, s0;
	s7 =	sshll.u32 s7, $0x4  }
0x19: {  	s3 =	sadd.s32 $0x19800, s3;
	s21 =	sadd.s32 $0x9800, s9;
	s22 =	sadd.s32 $0x11800, s9  }
0x1a: {  	s23 =	smax.u32 s13, $0x1;
	p1 =	por p2, !p0;
	[dreg:$0xf] =	wrdreg s19  }
0x1b: {  	p2 =	por !p2, !p0;
	s13 =	simm.s32 $0xC;
	[dreg:$0x12] =	wrdreg s3  }
0x1c: {  	s24 =	sadd.s32 $0x800, s17;
	s15 =	sadd.s32 s26, s1;
	[dreg:$0x13] =	wrdreg s21  }
0x1d: {  	s20 =	sadd.s32 s14, s29;
	s7 =	sadd.s32 s0, s7;
	[dreg:$0x14] =	wrdreg s22  }
0x1e: {  	s1 =	sadd.s32 s18, s6;
	[dreg:$0x15] =	wrdreg s23;
	s25 =	sadd.s32 $0x1000, s17  }
0x1f: {  	[dreg:$0xd] =	wrdreg s17;
	s26 =	sadd.s32 $0x1800, s17;
	s29 =	sadd.s32 $0x30D0, s14  }
0x20: {  	s3 =	simm.s32 $0x4D00;
	s6 =	simm.s32 $0xCD00;
	[dreg:$0xe] =	wrdreg s24  }
0x21: {  	s14 =	simm.s32 $0x4;
	s17 =	simm.s32 $0x5;
	[dreg:$0x10] =	wrdreg s20  }
0x22: {  	s18 =	simm.s32 $0x6;
	s19 =	simm.s32 $0x7;
	[dreg:$0x11] =	wrdreg s7  }
0x23: {  	s21 =	simm.s32 $0x9;
	s1 =	sshll.u32 s1, $0xB;
	[dreg:$0x19] =	wrdreg s25  }
0x24: {  	s22 =	simm.s32 $0xA;
	[dreg:$0x1a] =	wrdreg s26;
	s0 =	sadd.s32 s1, s0  }
0x25: {  	[dreg:$0x1b] =	wrdreg s29;
	s25 =	simm.s32 $0x18D00;
	s1 =	sadd.s32 $0x3800, s0  }
0x26: {  	s20 =	simm.s32 $0x8;
	s24 =	sadd.s32 $0x3000, s0;
	[dreg:$0x16] =	wrdreg s1  }
0x27: {  	s26 =	simm.s32 $0x0;
	s0 =	sadd.s32 $0x2000, s0;
	[dreg:$0x17] =	wrdreg s24  }
0x28: {  	[dreg:$0x18] =	wrdreg s0;
	s0 =	simm.s32 $0xD00;
	s1 =	simm.s32 $0x8D00  }
.LBB2_1:
0x29: {  	s7 =	rddreg [dreg:$0x8]  }
0x2a: {  	s9 =	rddreg [dreg:$0x9]  }
0x2b: {  	[tilespmem:s25], [sflag:$0xE] =	stream.linear.gather [hbm4b:s7+s5], $0x20, $0x38;
	[tilespmem:$0x1B200] =	vst v63  }
0x2c: {  	s23 =	rddreg [dreg:$0xa];
	s8 =	sshrl.u32 s9, $0x3  }
0x2d: {  	[dreg:$0x1c] =	wrdreg s8  }
0x2e: {  	[spmem:s8], [sflag:s10] =	dma.local [hbm:s23], $0x400  }
0x2f: {  	s7 =	rddreg [dreg:$0xb]  }
0x30: {  	s24 =	rddreg [dreg:$0xc];
	s29 =	sshrl.u32 s7, $0x3  }
0x31: {  	[spmem:s29], [sflag:s10] =	dma.local [hbm:s24], $0x400  }
0x32: {  	s8 =	simm.s32 $0x80;
	s7 =	rddreg [dreg:$0x7]  }
0x33: {  	[tilespmem:s31], [sflag:$0xF] =	stream.linear.gather [hbm4b:s7+s5], $0x4000, $0x38;
	[tilespmem:$0x1B200] =	vst v63  }
0x34: {  	s23 =	simm.s32 $0x0;
	s24 =	sadd.s32 $0x0, s15;
	s7 =	simm.s32 $0x10  }
.LBB2_2:
0x35: {  	[tilespmem:s23], [sflag:$0x2] =	stream.linear.gather [hbm4b:s24+s5], $0x80, $0x38;
	[tilespmem:$0x1B200] =	vst v63  }
0x36: {  	s24 =	smov.u32 s7;
	s23 =	smov.u32 s8;
	p3 =	sne.s32 s7, $0x170  }
.Ltmp0:
0x37: {  	s7 =	sadd.s32 $0x10, s7;
	(pc) =	sbr.rel @p3 .LBB2_2-.Ltmp0, $2  }
0x38: {  	_ =	sdelay $0x2  }
0x39: {  	s8 =	sadd.s32 $0x80, s8;
	s24 =	sadd.s32 s24, s15  }
0x3a: {  	[tilespmem:s23], [sflag:$0x2] =	stream.linear.gather [hbm4b:s24+s5], $0x80, $0x38;
	[tilespmem:$0x1B200] =	vst v63  }
0x3b: {  	s7 =	rddreg [dreg:$0xd]  }
0x3c: {  	[tilespmem:s0], [sflag:$0x4] =	stream.linear.gather [hbm4b:s7+s5], $0x4000, $0x38;
	[tilespmem:$0x1B200] =	vst v63  }
0x3d: {  	s8 =	rddreg [dreg:$0xe]  }
0x3e: {  	[tilespmem:s3], [sflag:$0x5] =	stream.linear.gather [hbm4b:s8+s5], $0x4000, $0x38;
	[tilespmem:$0x1B200] =	vst v63  }
0x3f: {  	s9 =	rddreg [dreg:$0x19]  }
0x40: {  	[tilespmem:s1], [sflag:$0x6] =	stream.linear.gather [hbm4b:s9+s5], $0x4000, $0x38;
	[tilespmem:$0x1B200] =	vst v63  }
0x41: {  	s23 =	rddreg [dreg:$0x1a]  }
0x42: {  	[tilespmem:s6], [sflag:$0x7] =	stream.linear.gather [hbm4b:s23+s5], $0x4000, $0x38;
	[tilespmem:$0x1B200] =	vst v63  }
0x43: {  	s7 =	simm.s32 @!p1 $0x0;
	s8 =	simm.s32 @!p1 $0xC80;
	s9 =	rddreg [dreg:$0x1b]  }
0x44: {  	[tilespmem:s8], [sflag:$0x2] =	stream.linear.gather @!p1 [hbm4b:s9+s7], $0x20, $0x38;
	[tilespmem:$0x1B200] =	vst v63  }
0x45: {  	s8 =	simm.s32 @!p1 $0x10D00;
	s9 =	rddreg [dreg:$0xf]  }
0x46: {  	[tilespmem:s8], [sflag:$0x3] =	stream.linear.gather @!p1 [hbm4b:s9+s7], $0x1000, $0x38;
	[tilespmem:$0x1B200] =	vst v63  }
0x47: {  	s23 =	simm.s32 @!p0 $0x0;
	s8 =	simm.s32 @!p0 $0xC00;
	s7 =	rddreg [dreg:$0x10]  }
0x48: {  	[tilespmem:s8], [sflag:$0x2] =	stream.linear.gather @!p0 [hbm4b:s7+s23], $0x80, $0x38;
	[tilespmem:$0x1B200] =	vst v63  }
0x49: {  	s24 =	simm.s32 $0xE;
	s9 =	rddreg [dreg:$0x11];
	s7 =	simm.s32 @!p0 $0x10D00  }
0x4a: {  	[tilespmem:s7], [sflag:$0x3] =	stream.linear.gather @!p0 [hbm4b:s9+s23], $0x4000, $0x38;
	[tilespmem:$0x1B200] =	vst v63  }
0x4b: {  	_ =	swait.ge [sflag:s24], $0x20  }
0x4c: {  	[sflag:s24] =	ssyncset.done $0x0  }
0x4d: {  	[sflag:s24] =	ssyncadd.s32 $0xFFFFFFE0  }
0x4e: {  	s23 =	simm.s32 $0x20;
	s24 =	simm.s32 $0x18D80;
	s9 =	rddreg [dreg:$0x1]  }
0x4f: {  	[tilespmem:s24], [sflag:$0x1] =	stream.indirect.gather [hbm4b:s9+s23], $0x1, s25, s23, $0xb8;
	[tilespmem:$0x1B200] =	vst v63  }
0x50: {  	_ =	swait.ge [sflag:s28], $0x20  }
0x51: {  	[sflag:s28] =	ssyncset.done $0x0  }
0x52: {  	s25 =	rddreg [dreg:$0x12];
	[sflag:s28] =	ssyncadd.s32 $0xFFFFFFE0  }
0x53: {  	[hbm4b:s25+s5] =	stream.linear.scatter [tilespmem:s24], [sflag:$0x1], $0x20, $0x38;
	[tilespmem:$0x1B200] =	vst v63  }
0x54: {  	_ =	swait.ge [sflag:s11], $0x400  }
0x55: {  	[sflag:s11] =	ssyncset.done $0x0  }
0x56: {  	[sflag:s11] =	ssyncadd.s32 $0xFFFFFC00  }
0x57: {  	_ =	swait.ge [sflag:s11], $0x400  }
0x58: {  	[sflag:s11] =	ssyncset.done $0x0  }
0x59: {  	[sflag:s11] =	ssyncadd.s32 $0xFFFFFC00  }
0x5a: {  	_ =	swait.ge [sflag:s11], $0x4000  }
0x5b: {  	[sflag:s11] =	ssyncset.done $0x0  }
0x5c: {  	[sflag:s11] =	ssyncadd.s32 $0xFFFFC000  }
0x5d: {  	_ =	swait.ge [sflag:s12], $0x80  }
0x5e: {  	[sflag:s12] =	ssyncset.done $0x0  }
0x5f: {  	[sflag:s12] =	ssyncadd.s32 $0xFFFFFF80  }
0x60: {  	_ =	swait.ge [sflag:s12], $0x80  }
0x61: {  	[sflag:s12] =	ssyncset.done $0x0  }
0x62: {  	[sflag:s12] =	ssyncadd.s32 $0xFFFFFF80  }
0x63: {  	_ =	swait.ge [sflag:s12], $0x80  }
0x64: {  	[sflag:s12] =	ssyncset.done $0x0  }
0x65: {  	[sflag:s12] =	ssyncadd.s32 $0xFFFFFF80  }
0x66: {  	_ =	swait.ge [sflag:s12], $0x80  }
0x67: {  	[sflag:s12] =	ssyncset.done $0x0  }
0x68: {  	[sflag:s12] =	ssyncadd.s32 $0xFFFFFF80  }
0x69: {  	_ =	swait.ge [sflag:s12], $0x80  }
0x6a: {  	[sflag:s12] =	ssyncset.done $0x0  }
0x6b: {  	[sflag:s12] =	ssyncadd.s32 $0xFFFFFF80  }
0x6c: {  	_ =	swait.ge [sflag:s12], $0x80  }
0x6d: {  	[sflag:s12] =	ssyncset.done $0x0  }
0x6e: {  	[sflag:s12] =	ssyncadd.s32 $0xFFFFFF80  }
0x6f: {  	_ =	swait.ge [sflag:s12], $0x80  }
0x70: {  	[sflag:s12] =	ssyncset.done $0x0  }
0x71: {  	[sflag:s12] =	ssyncadd.s32 $0xFFFFFF80  }
0x72: {  	_ =	swait.ge [sflag:s12], $0x80  }
0x73: {  	[sflag:s12] =	ssyncset.done $0x0  }
0x74: {  	[sflag:s12] =	ssyncadd.s32 $0xFFFFFF80  }
0x75: {  	_ =	swait.ge [sflag:s12], $0x80  }
0x76: {  	[sflag:s12] =	ssyncset.done $0x0  }
0x77: {  	[sflag:s12] =	ssyncadd.s32 $0xFFFFFF80  }
0x78: {  	_ =	swait.ge [sflag:s12], $0x80  }
0x79: {  	[sflag:s12] =	ssyncset.done $0x0  }
0x7a: {  	[sflag:s12] =	ssyncadd.s32 $0xFFFFFF80  }
0x7b: {  	_ =	swait.ge [sflag:s12], $0x80  }
0x7c: {  	[sflag:s12] =	ssyncset.done $0x0  }
0x7d: {  	[sflag:s12] =	ssyncadd.s32 $0xFFFFFF80  }
0x7e: {  	_ =	swait.ge [sflag:s12], $0x80  }
0x7f: {  	[sflag:s12] =	ssyncset.done $0x0  }
0x80: {  	[sflag:s12] =	ssyncadd.s32 $0xFFFFFF80  }
0x81: {  	_ =	swait.ge [sflag:s12], $0x80  }
0x82: {  	[sflag:s12] =	ssyncset.done $0x0  }
0x83: {  	[sflag:s12] =	ssyncadd.s32 $0xFFFFFF80  }
0x84: {  	_ =	swait.ge [sflag:s12], $0x80  }
0x85: {  	[sflag:s12] =	ssyncset.done $0x0  }
0x86: {  	[sflag:s12] =	ssyncadd.s32 $0xFFFFFF80  }
0x87: {  	_ =	swait.ge [sflag:s12], $0x80  }
0x88: {  	[sflag:s12] =	ssyncset.done $0x0  }
0x89: {  	[sflag:s12] =	ssyncadd.s32 $0xFFFFFF80  }
0x8a: {  	_ =	swait.ge [sflag:s12], $0x80  }
0x8b: {  	[sflag:s12] =	ssyncset.done $0x0  }
0x8c: {  	[sflag:s12] =	ssyncadd.s32 $0xFFFFFF80  }
0x8d: {  	_ =	swait.ge [sflag:s12], $0x80  }
0x8e: {  	[sflag:s12] =	ssyncset.done $0x0  }
0x8f: {  	[sflag:s12] =	ssyncadd.s32 $0xFFFFFF80  }
0x90: {  	_ =	swait.ge [sflag:s12], $0x80  }
0x91: {  	[sflag:s12] =	ssyncset.done $0x0  }
0x92: {  	[sflag:s12] =	ssyncadd.s32 $0xFFFFFF80  }
0x93: {  	_ =	swait.ge [sflag:s12], $0x80  }
0x94: {  	[sflag:s12] =	ssyncset.done $0x0  }
0x95: {  	[sflag:s12] =	ssyncadd.s32 $0xFFFFFF80  }
0x96: {  	_ =	swait.ge [sflag:s12], $0x80  }
0x97: {  	[sflag:s12] =	ssyncset.done $0x0  }
0x98: {  	[sflag:s12] =	ssyncadd.s32 $0xFFFFFF80  }
0x99: {  	_ =	swait.ge [sflag:s12], $0x80  }
0x9a: {  	[sflag:s12] =	ssyncset.done $0x0  }
0x9b: {  	[sflag:s12] =	ssyncadd.s32 $0xFFFFFF80  }
0x9c: {  	_ =	swait.ge [sflag:s12], $0x80  }
0x9d: {  	[sflag:s12] =	ssyncset.done $0x0  }
0x9e: {  	[sflag:s12] =	ssyncadd.s32 $0xFFFFFF80  }
0x9f: {  	_ =	swait.ge [sflag:s12], $0x80  }
0xa0: {  	[sflag:s12] =	ssyncset.done $0x0  }
0xa1: {  	[sflag:s12] =	ssyncadd.s32 $0xFFFFFF80  }
0xa2: {  	_ =	swait.ge [sflag:s12], $0x80  }
0xa3: {  	p4 =	por @p0 $0x0, $0x0;
	[sflag:s12] =	ssyncset.done $0x0  }
0xa4: {  	p3 =	por @!p1 $0x1, $0x1;
	s23 =	simm.s32 @!p0 $0x2;
	[sflag:s12] =	ssyncadd.s32 $0xFFFFFF80  }
0xa5: {  	p3 =	por @!p2 p4, p4;
	p4 =	por @!p0 $0x0, $0x0;
	_ =	swait.ge @!p0 [sflag:s23], $0x80  }
0xa6: {  	p3 =	por @!p0 p4, p4;
	[sflag:s23] =	ssyncset.done @!p0 $0x0  }
0xa7: {  	[sflag:s23] =	ssyncadd.s32 @!p0 $0xFFFFFF80;
	s23 =	simm.s32 @p3 $0x2  }
0xa8: {  	_ =	swait.ge @p3 [sflag:s23], $0x20  }
0xa9: {  	[sflag:s23] =	ssyncset.done @p3 $0x0  }
0xaa: {  	[sflag:s23] =	ssyncadd.s32 @p3 $0xFFFFFFE0  }
0xab: {  	s23 =	simm.s32 @!p0 $0x3;
	[bflag:$0x0] =	sbarrier.arrive $0xFFFF  }
0xac: {  	_ =	swait.ge @!p0 [sflag:s23], $0x4000  }
0xad: {  	[sflag:s23] =	ssyncset.done @!p0 $0x0  }
0xae: {  	[sflag:s23] =	ssyncadd.s32 @!p0 $0xFFFFC000;
	s23 =	simm.s32 @!p0 $0x80  }
0xaf: {  	[spmem:s2] =	stream.indirect.scatter.add.f32 @!p0 [tilespmem:s7], [sflag:$0xD], $0x80, s8, s23, $0xb8;
	[tilespmem:$0x1B200] =	vst v63  }
0xb0: {  	s7 =	simm.s32 @!p0 $0x14D00  }
0xb1: {  	[spmem:s4] =	stream.indirect.scatter.add.f32 @!p0 [tilespmem:s7], [sflag:$0xC], $0x10, s8, s23, $0xb8;
	[tilespmem:$0x1B200] =	vst v63  }
0xb2: {  	s7 =	simm.s32 @p3 $0x3  }
0xb3: {  	_ =	swait.ge @p3 [sflag:s7], $0x1000  }
0xb4: {  	s8 =	simm.s32 @p3 $0xC80;
	[sflag:s7] =	ssyncset.done @p3 $0x0  }
0xb5: {  	s23 =	simm.s32 @p3 $0x10D00;
	[sflag:s7] =	ssyncadd.s32 @p3 $0xFFFFF000;
	s7 =	simm.s32 @p3 $0x20  }
0xb6: {  	[spmem:s2] =	stream.indirect.scatter.add.f32 @p3 [tilespmem:s23], [sflag:$0xD], $0x80, s8, s7, $0xb8;
	[tilespmem:$0x1B200] =	vst v63  }
0xb7: {  	s23 =	simm.s32 @p3 $0x14D00  }
0xb8: {  	[spmem:s4] =	stream.indirect.scatter.add.f32 @p3 [tilespmem:s23], [sflag:$0xC], $0x10, s8, s7, $0xb8;
	[tilespmem:$0x1B200] =	vst v63  }
0xb9: {  	_ =	swait.ge [sflag:s14], $0x4000  }
0xba: {  	[sflag:s14] =	ssyncset.done $0x0  }
0xbb: {  	s28 =	simm.s32 $0x0;
	[sflag:s14] =	ssyncadd.s32 $0xFFFFC000  }
0xbc: {  	[spmem:s2] =	stream.indirect.scatter.add.f32 [tilespmem:s0], [sflag:$0x8], $0x80, s28, s16, $0xb8;
	[tilespmem:$0x1B200] =	vst v63  }
0xbd: {  	_ = 	snop  }
0xbe: {  	[spmem:s4] =	stream.indirect.scatter.add.f32 [tilespmem:s31], [sflag:$0xC], $0x10, s28, s16, $0xb8;
	[tilespmem:$0x1B200] =	vst v63  }
0xbf: {  	_ =	swait.ge [sflag:s17], $0x4000  }
0xc0: {  	[sflag:s17] =	ssyncset.done $0x0  }
0xc1: {  	s8 =	simm.s32 $0x80;
	[sflag:s17] =	ssyncadd.s32 $0xFFFFC000  }
0xc2: {  	[spmem:s2] =	stream.indirect.scatter.add.f32 [tilespmem:s3], [sflag:$0x9], $0x80, s8, s16, $0xb8;
	[tilespmem:$0x1B200] =	vst v63  }
0xc3: {  	_ = 	snop  }
0xc4: {  	[spmem:s4] =	stream.indirect.scatter.add.f32 [tilespmem:s31], [sflag:$0xC], $0x10, s8, s16, $0xb8;
	[tilespmem:$0x1B200] =	vst v63  }
0xc5: {  	_ =	swait.ge [sflag:s18], $0x4000  }
0xc6: {  	[sflag:s18] =	ssyncset.done $0x0  }
0xc7: {  	s9 =	simm.s32 $0x100;
	[sflag:s18] =	ssyncadd.s32 $0xFFFFC000  }
0xc8: {  	[spmem:s2] =	stream.indirect.scatter.add.f32 [tilespmem:s1], [sflag:$0xA], $0x80, s9, s16, $0xb8;
	[tilespmem:$0x1B200] =	vst v63  }
0xc9: {  	_ = 	snop  }
0xca: {  	[spmem:s4] =	stream.indirect.scatter.add.f32 [tilespmem:s31], [sflag:$0xC], $0x10, s9, s16, $0xb8;
	[tilespmem:$0x1B200] =	vst v63  }
0xcb: {  	_ =	swait.ge [sflag:s19], $0x4000  }
0xcc: {  	[sflag:s19] =	ssyncset.done $0x0  }
0xcd: {  	s23 =	simm.s32 $0x180;
	[sflag:s19] =	ssyncadd.s32 $0xFFFFC000  }
0xce: {  	[spmem:s2] =	stream.indirect.scatter.add.f32 [tilespmem:s6], [sflag:$0xB], $0x80, s23, s16, $0xb8;
	[tilespmem:$0x1B200] =	vst v63  }
0xcf: {  	_ = 	snop  }
0xd0: {  	[spmem:s4] =	stream.indirect.scatter.add.f32 [tilespmem:s31], [sflag:$0xC], $0x10, s23, s16, $0xb8;
	[tilespmem:$0x1B200] =	vst v63  }
0xd1: {  	_ =	swait.ge [sflag:s20], $0x4000  }
0xd2: {  	[sflag:s20] =	ssyncset.done $0x0  }
0xd3: {  	s24 =	rddreg [dreg:$0x18];
	[sflag:s20] =	ssyncadd.s32 $0xFFFFC000  }
0xd4: {  	[tilespmem:s0], [sflag:$0x4] =	stream.linear.gather [hbm4b:s24+s5], $0x4000, $0x38;
	[tilespmem:$0x1B200] =	vst v63  }
0xd5: {  	_ =	swait.ge [sflag:s21], $0x4000  }
0xd6: {  	[sflag:s21] =	ssyncset.done $0x0;
	s23 =	rddreg [dreg:$0x16]  }
0xd7: {  	[sflag:s21] =	ssyncadd.s32 $0xFFFFC000;
	s25 =	sadd.s32 $0xFFFFF000, s23  }
0xd8: {  	[tilespmem:s3], [sflag:$0x5] =	stream.linear.gather [hbm4b:s25+s5], $0x4000, $0x38;
	[tilespmem:$0x1B200] =	vst v63  }
0xd9: {  	_ =	swait.ge [sflag:s22], $0x4000  }
0xda: {  	[sflag:s22] =	ssyncset.done $0x0  }
0xdb: {  	s28 =	rddreg [dreg:$0x17];
	[sflag:s22] =	ssyncadd.s32 $0xFFFFC000  }
0xdc: {  	[tilespmem:s1], [sflag:$0x6] =	stream.linear.gather [hbm4b:s28+s5], $0x4000, $0x38;
	[tilespmem:$0x1B200] =	vst v63  }
0xdd: {  	_ =	swait.ge [sflag:s30], $0x4000  }
0xde: {  	s7 =	simm.s32 $0x800;
	s8 =	sadd.s32 $0x2000, s24;
	[sflag:s30] =	ssyncset.done $0x0  }
0xdf: {  	s24 =	sadd.s32 $0x2000, s23;
	s25 =	sadd.s32 $0x2000, s28;
	[sflag:s30] =	ssyncadd.s32 $0xFFFFC000  }
.LBB2_4:
0xe0: {  	[tilespmem:s6], [sflag:$0x7] =	stream.linear.gather [hbm4b:s23+s5], $0x4000, $0x38;
	[tilespmem:$0x1B200] =	vst v63  }
0xe1: {  	s9 =	smov.u32 s7;
	s23 =	smov.u32 s24  }
0xe2: {  	p4 =	sne.s32 s7, $0x2000;
	s7 =	sadd.s32 $0x800, s7;
	_ =	swait.ge [sflag:s14], $0x4000  }
0xe3: {  	[sflag:s14] =	ssyncset.done $0x0  }
0xe4: {  	s9 =	sshra.s32 s9, $0x2;
	[sflag:s14] =	ssyncadd.s32 $0xFFFFC000  }
0xe5: {  	[spmem:s2] =	stream.indirect.scatter.add.f32 [tilespmem:s0], [sflag:$0x8], $0x80, s9, s16, $0xb8;
	[tilespmem:$0x1B200] =	vst v63  }
0xe6: {  	_ = 	snop  }
0xe7: {  	[spmem:s4] =	stream.indirect.scatter.add.f32 [tilespmem:s31], [sflag:$0xC], $0x10, s9, s16, $0xb8;
	[tilespmem:$0x1B200] =	vst v63  }
0xe8: {  	_ =	swait.ge [sflag:s17], $0x4000  }
0xe9: {  	[sflag:s17] =	ssyncset.done $0x0  }
0xea: {  	s28 =	sadd.s32 $0x80, s9;
	[sflag:s17] =	ssyncadd.s32 $0xFFFFC000  }
0xeb: {  	[spmem:s2] =	stream.indirect.scatter.add.f32 [tilespmem:s3], [sflag:$0x9], $0x80, s28, s16, $0xb8;
	[tilespmem:$0x1B200] =	vst v63  }
0xec: {  	_ = 	snop  }
0xed: {  	[spmem:s4] =	stream.indirect.scatter.add.f32 [tilespmem:s31], [sflag:$0xC], $0x10, s28, s16, $0xb8;
	[tilespmem:$0x1B200] =	vst v63  }
0xee: {  	_ =	swait.ge [sflag:s18], $0x4000  }
0xef: {  	[sflag:s18] =	ssyncset.done $0x0  }
0xf0: {  	s28 =	sadd.s32 $0x100, s9;
	[sflag:s18] =	ssyncadd.s32 $0xFFFFC000  }
0xf1: {  	[spmem:s2] =	stream.indirect.scatter.add.f32 [tilespmem:s1], [sflag:$0xA], $0x80, s28, s16, $0xb8;
	[tilespmem:$0x1B200] =	vst v63  }
0xf2: {  	_ = 	snop  }
0xf3: {  	[spmem:s4] =	stream.indirect.scatter.add.f32 [tilespmem:s31], [sflag:$0xC], $0x10, s28, s16, $0xb8;
	[tilespmem:$0x1B200] =	vst v63  }
0xf4: {  	_ =	swait.ge [sflag:s19], $0x4000  }
0xf5: {  	[sflag:s19] =	ssyncset.done $0x0  }
0xf6: {  	s9 =	sadd.s32 $0x180, s9;
	[sflag:s19] =	ssyncadd.s32 $0xFFFFC000  }
0xf7: {  	[spmem:s2] =	stream.indirect.scatter.add.f32 [tilespmem:s6], [sflag:$0xB], $0x80, s9, s16, $0xb8;
	[tilespmem:$0x1B200] =	vst v63  }
0xf8: {  	_ = 	snop  }
0xf9: {  	[spmem:s4] =	stream.indirect.scatter.add.f32 [tilespmem:s31], [sflag:$0xC], $0x10, s9, s16, $0xb8;
	[tilespmem:$0x1B200] =	vst v63  }
0xfa: {  	_ =	swait.ge [sflag:s20], $0x4000  }
0xfb: {  	[sflag:s20] =	ssyncset.done $0x0  }
0xfc: {  	[sflag:s20] =	ssyncadd.s32 $0xFFFFC000  }
0xfd: {  	[tilespmem:s0], [sflag:$0x4] =	stream.linear.gather [hbm4b:s8+s5], $0x4000, $0x38;
	[tilespmem:$0x1B200] =	vst v63  }
0xfe: {  	_ =	swait.ge [sflag:s21], $0x4000  }
0xff: {  	[sflag:s21] =	ssyncset.done $0x0  }
0x100: {  	s9 =	sadd.s32 $0xFFFFF000, s24;
	[sflag:s21] =	ssyncadd.s32 $0xFFFFC000  }
0x101: {  	[tilespmem:s3], [sflag:$0x5] =	stream.linear.gather [hbm4b:s9+s5], $0x4000, $0x38;
	[tilespmem:$0x1B200] =	vst v63  }
0x102: {  	_ =	swait.ge [sflag:s22], $0x4000  }
0x103: {  	[sflag:s22] =	ssyncset.done $0x0  }
.Ltmp1:
0x104: {  	[sflag:s22] =	ssyncadd.s32 $0xFFFFC000;
	(pc) =	sbr.rel @p4 .LBB2_4-.Ltmp1, $4  }
0x105: {  	[tilespmem:s1], [sflag:$0x6] =	stream.linear.gather [hbm4b:s25+s5], $0x4000, $0x38;
	[tilespmem:$0x1B200] =	vst v63  }
0x106: {  	_ =	swait.ge [sflag:s30], $0x4000  }
0x107: {  	s8 =	sadd.s32 $0x2000, s8;
	[sflag:s30] =	ssyncset.done $0x0  }
0x108: {  	s24 =	sadd.s32 $0x2000, s24;
	s25 =	sadd.s32 $0x2000, s25;
	[sflag:s30] =	ssyncadd.s32 $0xFFFFC000  }
0x109: {  	[tilespmem:s6], [sflag:$0x7] =	stream.linear.gather [hbm4b:s23+s5], $0x4000, $0x38;
	[tilespmem:$0x1B200] =	vst v63  }
0x10a: {  	_ =	swait.ge [sflag:s14], $0x4000  }
0x10b: {  	[sflag:s14] =	ssyncset.done $0x0  }
0x10c: {  	s7 =	simm.s32 $0xA00;
	[sflag:s14] =	ssyncadd.s32 $0xFFFFC000  }
0x10d: {  	[spmem:s2] =	stream.indirect.scatter.add.f32 [tilespmem:s0], [sflag:$0x8], $0x80, s7, s16, $0xb8;
	[tilespmem:$0x1B200] =	vst v63  }
0x10e: {  	_ = 	snop  }
0x10f: {  	[spmem:s4] =	stream.indirect.scatter.add.f32 [tilespmem:s31], [sflag:$0xC], $0x10, s7, s16, $0xb8;
	[tilespmem:$0x1B200] =	vst v63  }
0x110: {  	_ =	swait.ge [sflag:s17], $0x4000  }
0x111: {  	[sflag:s17] =	ssyncset.done $0x0  }
0x112: {  	s9 =	simm.s32 $0xA80;
	[sflag:s17] =	ssyncadd.s32 $0xFFFFC000  }
0x113: {  	[spmem:s2] =	stream.indirect.scatter.add.f32 [tilespmem:s3], [sflag:$0x9], $0x80, s9, s16, $0xb8;
	[tilespmem:$0x1B200] =	vst v63  }
0x114: {  	_ = 	snop  }
0x115: {  	[spmem:s4] =	stream.indirect.scatter.add.f32 [tilespmem:s31], [sflag:$0xC], $0x10, s9, s16, $0xb8;
	[tilespmem:$0x1B200] =	vst v63  }
0x116: {  	_ =	swait.ge [sflag:s18], $0x4000  }
0x117: {  	[sflag:s18] =	ssyncset.done $0x0  }
0x118: {  	s23 =	simm.s32 $0xB00;
	[sflag:s18] =	ssyncadd.s32 $0xFFFFC000  }
0x119: {  	[spmem:s2] =	stream.indirect.scatter.add.f32 [tilespmem:s1], [sflag:$0xA], $0x80, s23, s16, $0xb8;
	[tilespmem:$0x1B200] =	vst v63  }
0x11a: {  	_ = 	snop  }
0x11b: {  	[spmem:s4] =	stream.indirect.scatter.add.f32 [tilespmem:s31], [sflag:$0xC], $0x10, s23, s16, $0xb8;
	[tilespmem:$0x1B200] =	vst v63  }
0x11c: {  	_ =	swait.ge [sflag:s19], $0x4000  }
0x11d: {  	[sflag:s19] =	ssyncset.done $0x0  }
0x11e: {  	s24 =	simm.s32 $0xB80;
	[sflag:s19] =	ssyncadd.s32 $0xFFFFC000  }
0x11f: {  	[spmem:s2] =	stream.indirect.scatter.add.f32 [tilespmem:s6], [sflag:$0xB], $0x80, s24, s16, $0xb8;
	[tilespmem:$0x1B200] =	vst v63  }
0x120: {  	_ = 	snop  }
0x121: {  	[spmem:s4] =	stream.indirect.scatter.add.f32 [tilespmem:s31], [sflag:$0xC], $0x10, s24, s16, $0xb8;
	[tilespmem:$0x1B200] =	vst v63  }
0x122: {  	_ =	swait.ge [sflag:s20], $0x4000  }
0x123: {  	[sflag:s20] =	ssyncset.done $0x0  }
0x124: {  	[sflag:s20] =	ssyncadd.s32 $0xFFFFC000  }
0x125: {  	_ =	swait.ge [sflag:s21], $0x4000  }
0x126: {  	[sflag:s21] =	ssyncset.done $0x0  }
0x127: {  	[sflag:s21] =	ssyncadd.s32 $0xFFFFC000  }
0x128: {  	_ =	swait.ge [sflag:s22], $0x4000  }
0x129: {  	[sflag:s22] =	ssyncset.done $0x0  }
0x12a: {  	[sflag:s22] =	ssyncadd.s32 $0xFFFFC000  }
0x12b: {  	_ =	swait.ge [sflag:s30], $0x4000  }
0x12c: {  	[sflag:s30] =	ssyncset.done $0x0  }
0x12d: {  	s7 =	simm.s32 @!p0 $0xD;
	[sflag:s30] =	ssyncadd.s32 $0xFFFFC000  }
0x12e: {  	_ =	swait.ge @!p0 [sflag:s7], $0x4000  }
0x12f: {  	[sflag:s7] =	ssyncset.done @!p0 $0x0  }
0x130: {  	[sflag:s7] =	ssyncadd.s32 @!p0 $0xFFFFC000;
	s7 =	simm.s32 @!p0 $0xC  }
0x131: {  	_ =	swait.ge @!p0 [sflag:s7], $0x800  }
0x132: {  	[sflag:s7] =	ssyncset.done @!p0 $0x0  }
0x133: {  	[sflag:s7] =	ssyncadd.s32 @!p0 $0xFFFFF800;
	s7 =	simm.s32 @p3 $0xD  }
0x134: {  	_ =	swait.ge @p3 [sflag:s7], $0x1000  }
0x135: {  	[sflag:s7] =	ssyncset.done @p3 $0x0  }
0x136: {  	[sflag:s7] =	ssyncadd.s32 @p3 $0xFFFFF000;
	s7 =	simm.s32 @p3 $0xC  }
0x137: {  	_ =	swait.ge @p3 [sflag:s7], $0x200  }
0x138: {  	[sflag:s7] =	ssyncset.done @p3 $0x0  }
0x139: {  	[sflag:s7] =	ssyncadd.s32 @p3 $0xFFFFFE00  }
0x13a: {  	_ =	swait.ge [sflag:s13], $0x800  }
0x13b: {  	[sflag:s13] =	ssyncset.done $0x0  }
0x13c: {  	[sflag:s13] =	ssyncadd.s32 $0xFFFFF800  }
0x13d: {  	_ =	swait.ge [sflag:s13], $0x800  }
0x13e: {  	[sflag:s13] =	ssyncset.done $0x0  }
0x13f: {  	[sflag:s13] =	ssyncadd.s32 $0xFFFFF800  }
0x140: {  	_ =	swait.ge [sflag:s13], $0x800  }
0x141: {  	[sflag:s13] =	ssyncset.done $0x0  }
0x142: {  	[sflag:s13] =	ssyncadd.s32 $0xFFFFF800  }
0x143: {  	_ =	swait.ge [sflag:s13], $0x800  }
0x144: {  	[sflag:s13] =	ssyncset.done $0x0  }
0x145: {  	[sflag:s13] =	ssyncadd.s32 $0xFFFFF800  }
0x146: {  	_ =	swait.ge [sflag:s13], $0x800  }
0x147: {  	[sflag:s13] =	ssyncset.done $0x0  }
0x148: {  	[sflag:s13] =	ssyncadd.s32 $0xFFFFF800  }
0x149: {  	_ =	swait.ge [sflag:s13], $0x800  }
0x14a: {  	[sflag:s13] =	ssyncset.done $0x0  }
0x14b: {  	[sflag:s13] =	ssyncadd.s32 $0xFFFFF800  }
0x14c: {  	_ =	swait.ge [sflag:s13], $0x800  }
0x14d: {  	[sflag:s13] =	ssyncset.done $0x0  }
0x14e: {  	[sflag:s13] =	ssyncadd.s32 $0xFFFFF800  }
0x14f: {  	_ =	swait.ge [sflag:s13], $0x800  }
0x150: {  	[sflag:s13] =	ssyncset.done $0x0  }
0x151: {  	[sflag:s13] =	ssyncadd.s32 $0xFFFFF800  }
0x152: {  	_ =	swait.ge [sflag:s13], $0x800  }
0x153: {  	[sflag:s13] =	ssyncset.done $0x0  }
0x154: {  	[sflag:s13] =	ssyncadd.s32 $0xFFFFF800  }
0x155: {  	_ =	swait.ge [sflag:s13], $0x800  }
0x156: {  	[sflag:s13] =	ssyncset.done $0x0  }
0x157: {  	[sflag:s13] =	ssyncadd.s32 $0xFFFFF800  }
0x158: {  	_ =	swait.ge [sflag:s13], $0x800  }
0x159: {  	[sflag:s13] =	ssyncset.done $0x0  }
0x15a: {  	[sflag:s13] =	ssyncadd.s32 $0xFFFFF800  }
0x15b: {  	_ =	swait.ge [sflag:s13], $0x800  }
0x15c: {  	[sflag:s13] =	ssyncset.done $0x0  }
0x15d: {  	[sflag:s13] =	ssyncadd.s32 $0xFFFFF800  }
0x15e: {  	_ =	swait.ge [sflag:s13], $0x800  }
0x15f: {  	[sflag:s13] =	ssyncset.done $0x0  }
0x160: {  	[sflag:s13] =	ssyncadd.s32 $0xFFFFF800  }
0x161: {  	_ =	swait.ge [sflag:s13], $0x800  }
0x162: {  	[sflag:s13] =	ssyncset.done $0x0  }
0x163: {  	[sflag:s13] =	ssyncadd.s32 $0xFFFFF800  }
0x164: {  	_ =	swait.ge [sflag:s13], $0x800  }
0x165: {  	[sflag:s13] =	ssyncset.done $0x0  }
0x166: {  	[sflag:s13] =	ssyncadd.s32 $0xFFFFF800  }
0x167: {  	_ =	swait.ge [sflag:s13], $0x800  }
0x168: {  	[sflag:s13] =	ssyncset.done $0x0  }
0x169: {  	[sflag:s13] =	ssyncadd.s32 $0xFFFFF800  }
0x16a: {  	_ =	swait.ge [sflag:s13], $0x800  }
0x16b: {  	[sflag:s13] =	ssyncset.done $0x0  }
0x16c: {  	[sflag:s13] =	ssyncadd.s32 $0xFFFFF800  }
0x16d: {  	_ =	swait.ge [sflag:s13], $0x800  }
0x16e: {  	[sflag:s13] =	ssyncset.done $0x0  }
0x16f: {  	[sflag:s13] =	ssyncadd.s32 $0xFFFFF800  }
0x170: {  	_ =	swait.ge [sflag:s13], $0x800  }
0x171: {  	[sflag:s13] =	ssyncset.done $0x0  }
0x172: {  	[sflag:s13] =	ssyncadd.s32 $0xFFFFF800  }
0x173: {  	_ =	swait.ge [sflag:s13], $0x800  }
0x174: {  	[sflag:s13] =	ssyncset.done $0x0  }
0x175: {  	[sflag:s13] =	ssyncadd.s32 $0xFFFFF800  }
0x176: {  	_ =	swait.ge [sflag:s13], $0x800  }
0x177: {  	[sflag:s13] =	ssyncset.done $0x0  }
0x178: {  	[sflag:s13] =	ssyncadd.s32 $0xFFFFF800  }
0x179: {  	_ =	swait.ge [sflag:s13], $0x800  }
0x17a: {  	[sflag:s13] =	ssyncset.done $0x0  }
0x17b: {  	[sflag:s13] =	ssyncadd.s32 $0xFFFFF800  }
0x17c: {  	_ =	swait.ge [sflag:s13], $0x800  }
0x17d: {  	[sflag:s13] =	ssyncset.done $0x0  }
0x17e: {  	[sflag:s13] =	ssyncadd.s32 $0xFFFFF800  }
0x17f: {  	_ =	swait.ge [sflag:s13], $0x800  }
0x180: {  	[sflag:s13] =	ssyncset.done $0x0  }
0x181: {  	[sflag:s13] =	ssyncadd.s32 $0xFFFFF800  }
0x182: {  	[bflag:$0x0] =	sbarrier.arrive $0xFFFF  }
0x183: {  	s25 =	rddreg [dreg:$0x13]  }
0x184: {  	s8 =	rddreg [dreg:$0x1c]  }
0x185: {  	[hbm:s25], [sflag:s10] =	dma.local [spmem:s8], $0x400  }
0x186: {  	s7 =	rddreg [dreg:$0x14]  }
0x187: {  	[hbm:s7], [sflag:s10] =	dma.local [spmem:s29], $0x400  }
0x188: {  	_ =	swait.ge [sflag:s11], $0x400  }
0x189: {  	[sflag:s11] =	ssyncset.done $0x0  }
0x18a: {  	[sflag:s11] =	ssyncadd.s32 $0xFFFFFC00  }
0x18b: {  	_ =	swait.ge [sflag:s11], $0x400  }
0x18c: {  	[sflag:s11] =	ssyncset.done $0x0  }
0x18d: {  	s28 =	simm.s32 $0x1;
	[sflag:s11] =	ssyncadd.s32 $0xFFFFFC00  }
0x18e: {  	_ =	swait.ge [sflag:s28], $0x20  }
0x18f: {  	s26 =	sadd.s32 $0x1, s26;
	s29 =	rddreg [dreg:$0x15]  }
0x190: {  	p3 =	sne.s32 s26, s29  }
.Ltmp2:
0x191: {  	_ = 	snop;
	(pc) =	sbr.rel @p3 .LBB2_1-.Ltmp2, $3  }
0x192: {  	_ =	sdelay $0x1  }
0x193: {  	[sflag:s28] =	ssyncset.done $0x0  }
0x194: {  	s25 =	simm.s32 $0x18D00;
	[sflag:s28] =	ssyncadd.s32 $0xFFFFFFE0  }
0x195: {  	_ =	sfence.sel $0x180000  }
0x196: {  	[bflag:$0x0] =	sbarrier.arrive $0xFFFF  }
0x197: {  	_ =	strace $0x90000047  }
0x198: {  	s0 =	stileid.u32;
	[bflag:$0x2] =	sbarrier.arrive $0xFFFF  }
0x199: {  	p0 =	sne.s32 s0, $0x0;
	s0 =	rddreg [dreg:$0x6]  }
0x19a: {  	s0 =	sadd.s32 @!p0 $0x100000, s0  }
0x19b: {  	[sflag:s0] =	ssyncadd.tile.s32 @!p0 $0x1;
	_ =	shalt  }
.Lfunc_end2:
_tile_overlayer_lowered:
.L_overlay_start_2:
0x19c: {  	(tag) =	ssettag $0x2  }
0x19d: {  	s0 =	rddreg [dreg:$0x0];
	s2 =	stileid.u32  }
0x19e: {  	s1 =	rddreg [dreg:$0x1];
	p0 =	sne.s32 s2, $0x0  }
0x19f: {  	s3 =	rddreg [dreg:$0x2];
	[bflag:$0x3] =	sbarrier.arrive $0xFFFF;
	s2 =	simm.s32 @!p0 $0x1C10  }
0x1a0: {  	[timem:s3], [sflag:s2] =	dma.local @!p0 [hbm:s0], s1  }
0x1a1: {  	s0 =	simm.s32 @!p0 $0x10  }
0x1a2: {  	_ =	swait.ge @!p0 [sflag:s0], s1  }
0x1a3: {  	s1 =	ssub.s32 @!p0 $0x0, s1;
	[sflag:s0] =	ssyncset.done @!p0 $0x0  }
0x1a4: {  	[sflag:s0] =	ssyncadd.s32 @!p0 s1  }
0x1a5: {  	[bflag:$0x3] =	sbarrier.arrive $0xFFFF  }
0x1a6: {  	_ =	shalt  }

</sc_bundles>
